<compile_context>
chip_gen: v7x
topology: tpu7x:2x2x1
jax: 0.10.2.dev20260603
libtpu: 0.0.44.dev20260713+nightly
codegen_flags: <defaults>
</compile_context>

<pallas_src>
import functools

import jax
import jax.numpy as jnp
from jax import lax
from jax.experimental import pallas as pl
from jax.experimental.pallas import tpu as pltpu
from jax.experimental.pallas import tpu_sc as plsc

NC = 2
NS = 16
NW = NC * NS
CHUNK = 128
BLK = 2048
GRP = 4



@functools.lru_cache(maxsize=None)
def _make_agg(n_pad: int, d: int, cpw: int, async_scatter: bool = True):
    rpt = n_pad // NS
    mesh = plsc.VectorSubcoreMesh(core_axis_name="c", subcore_axis_name="s")

    @functools.partial(
        pl.kernel,
        out_type=jax.ShapeDtypeStruct((NC, n_pad, d), jnp.float32),
        mesh=mesh,
        scratch_types=[
            pltpu.VMEM((cpw, CHUNK), jnp.int32),
            pltpu.VMEM((cpw, CHUNK), jnp.int32),
        ] + [
            pltpu.VMEM((CHUNK, d), jnp.float32) for _ in range(2 * GRP)
        ] + [
            pltpu.SemaphoreType.DMA,
            pltpu.SemaphoreType.DMA,
            pltpu.SemaphoreType.DMA,
            pltpu.SemaphoreType.DMA,
            pltpu.VMEM_SHARED((n_pad, d), jnp.float32),
            pltpu.VMEM_SHARED((n_pad, d), jnp.float32),
        ],
        compiler_params=pltpu.CompilerParams(use_tc_tiling_on_sc=False),
    )
    def agg(tbl, srcs, dsts, out, src_v, dst_v, *rest):
        raw = rest[:2 * GRP]
        bufs = (raw[:GRP], raw[GRP:])
        gsem0, gsem1, ssem0, ssem1, acc, tbl_s = rest[2 * GRP:]
        c = lax.axis_index("c")
        s = lax.axis_index("s")
        w = c * NS + s
        pltpu.sync_copy(srcs.at[pl.ds(w * cpw, cpw)], src_v)
        pltpu.sync_copy(dsts.at[pl.ds(w * cpw, cpw)], dst_v)
        r0 = s * rpt
        pltpu.sync_copy(tbl.at[pl.ds(r0, rpt)], tbl_s.at[pl.ds(r0, rpt)])
        pltpu.sync_copy(tbl.at[pl.ds(r0, rpt)], acc.at[pl.ds(r0, rpt)])
        plsc.subcore_barrier()

        gsems = (gsem0, gsem1)
        ssems = (ssem0, ssem1)
        ngrp = cpw // GRP

        def fire_gathers(g, p):
            for j in range(GRP):
                pltpu.async_copy(tbl_s.at[src_v.at[g * GRP + j]],
                                 bufs[p][j], gsems[p])

        def drain_gathers(g, p):
            for j in range(GRP):
                pltpu.make_async_copy(tbl_s.at[src_v.at[g * GRP + j]],
                                      bufs[p][j], gsems[p]).wait()

        def fire_scatters(g, p):
            for j in range(GRP):
                pltpu.async_copy(bufs[p][j], acc.at[dst_v.at[g * GRP + j]],
                                 ssems[p], add=True)

        def drain_scatters(g, p):
            for j in range(GRP):
                pltpu.make_async_copy(bufs[p][j],
                                      acc.at[dst_v.at[g * GRP + j]],
                                      ssems[p]).wait()

        if not async_scatter:
            for b in range(2):
                pltpu.async_copy(tbl_s.at[src_v.at[b]], bufs[b][0], gsems[b])

            def halfstep(r, b):
                buf, sem = bufs[b][0], gsems[b]
                pltpu.make_async_copy(tbl_s.at[src_v.at[r]], buf, sem).wait()
                pltpu.sync_copy(buf, acc.at[dst_v.at[r]], add=True)

                @pl.when(r + 2 < cpw)
                def _():
                    pltpu.async_copy(tbl_s.at[src_v.at[r + 2]], buf, sem)

            def sbody(k, carry):
                halfstep(2 * k, 0)
                halfstep(2 * k + 1, 1)
                return carry

            lax.fori_loop(0, cpw // 2, sbody, 0)
            plsc.subcore_barrier()
            pltpu.sync_copy(acc.at[pl.ds(r0, rpt)], out.at[c, pl.ds(r0, rpt)])
            return

        fire_gathers(0, 0)

        def body(k, carry):
            g0 = 2 * k
            g1 = 2 * k + 1
            drain_gathers(g0, 0)

            @pl.when(g0 >= 2)
            def _():
                drain_scatters(g0 - 1, 1)

            fire_gathers(g1, 1)
            fire_scatters(g0, 0)
            drain_gathers(g1, 1)
            drain_scatters(g0, 0)

            @pl.when(g1 + 1 < ngrp)
            def _():
                fire_gathers(g1 + 1, 0)

            fire_scatters(g1, 1)
            return carry

        lax.fori_loop(0, ngrp // 2, body, 0)
        drain_scatters(ngrp - 1, 1)

        plsc.subcore_barrier()
        pltpu.sync_copy(acc.at[pl.ds(r0, rpt)], out.at[c, pl.ds(r0, rpt)])

    return agg


@functools.lru_cache(maxsize=None)
def _make_deg(n_pad: int, cpw: int):
    mesh = plsc.VectorSubcoreMesh(core_axis_name="c", subcore_axis_name="s")

    @functools.partial(
        pl.kernel,
        out_type=jax.ShapeDtypeStruct((NW, n_pad), jnp.float32),
        mesh=mesh,
        scratch_types=[
            pltpu.VMEM((cpw, CHUNK), jnp.int32),
            pltpu.VMEM((n_pad,), jnp.float32),
        ],
        compiler_params=pltpu.CompilerParams(use_tc_tiling_on_sc=False,
                                             needs_layout_passes=False),
    )
    def deg(zeros_hbm, dsts, out, dst_v, degl):
        c = lax.axis_index("c")
        s = lax.axis_index("s")
        w = c * NS + s
        pltpu.sync_copy(dsts.at[pl.ds(w * cpw, cpw)], dst_v)
        pltpu.sync_copy(zeros_hbm, degl)

        ones16 = jnp.ones((16,), jnp.float32)

        def body(r, carry):
            for j in range(CHUNK // 16):
                idx = dst_v[r, pl.ds(j * 16, 16)]
                plsc.addupdate_scatter(degl, [idx], ones16)
            return carry

        lax.fori_loop(0, cpw, body, 0)
        pltpu.sync_copy(degl, out.at[w])

    return deg



def _dinv_col(dp_ref):
    ones_col = jnp.ones((NW, 1), jnp.float32)
    deg = lax.dot_general(dp_ref[...], ones_col, (((0,), (0,)), ((), ())),
                          preferred_element_type=jnp.float32) + 1.0
    return lax.rsqrt(deg)


def _mm1_body(x_ref, w_ref, h_ref):
    h_ref[...] = jnp.dot(x_ref[...], w_ref[...],
                         preferred_element_type=jnp.float32)


def _scale_body(h_ref, dp_ref, out_ref):
    out_ref[...] = h_ref[...] * _dinv_col(dp_ref)


def _mm2_body(a0_ref, a1_ref, hs_ref, dp_ref, b_ref, w_ref, out_ref):
    dinv = _dinv_col(dp_ref)
    h = dinv * (a0_ref[0] + a1_ref[0] - hs_ref[...]) + b_ref[...]
    h = jnp.maximum(h, 0.0)
    out_ref[...] = jnp.dot(h, w_ref[...],
                           preferred_element_type=jnp.float32) * dinv


def _mm3_body(a0_ref, a1_ref, hs_ref, dp_ref, b_ref, fcw_ref, fcb_ref,
              emb_ref, log_ref):
    dinv = _dinv_col(dp_ref)
    h = dinv * (a0_ref[0] + a1_ref[0] - hs_ref[...]) + b_ref[...]
    h = jnp.maximum(h, 0.0)
    emb_ref[...] = h
    log_ref[...] = jnp.dot(h, fcw_ref[...],
                           preferred_element_type=jnp.float32) + fcb_ref[...]


def _row_spec(d):
    return pl.BlockSpec((BLK, d), lambda i: (i, 0))


def _full_spec(shape):
    return pl.BlockSpec(shape, lambda i: (0,) * len(shape))



def kernel(x, edge_index, W1, b1, W2, b2, fcW, fcb):
    n, in_dim = x.shape
    h1d = W1.shape[1]
    h2d = W2.shape[1]
    od = fcW.shape[1]

    src = edge_index[0].astype(jnp.int32)
    dst = edge_index[1].astype(jnp.int32)
    e = src.shape[0]

    n_pad = ((n + 1 + 511) // 512) * 512
    assert n_pad % BLK == 0
    cpw = -(-(-(-e // CHUNK)) // NW)
    cpw = ((cpw + 7) // 8) * 8
    e_pad = cpw * NW * CHUNK

    src_p = jnp.concatenate(
        [src, jnp.zeros((e_pad - e,), jnp.int32)]).reshape(-1, CHUNK)
    dst_p = jnp.concatenate(
        [dst, jnp.full((e_pad - e,), n, jnp.int32)]).reshape(-1, CHUNK)
    x_p = jnp.pad(x, ((0, n_pad - n), (0, 0)))


    grid = (n_pad // BLK,)
    dp_spec = pl.BlockSpec((NW, BLK), lambda i: (0, i))

    def _part_spec(d, core):
        return pl.BlockSpec((1, BLK, d), lambda i, _c=core: (_c, i, 0))

    deg_parts = _make_deg(n_pad, cpw)(jnp.zeros((n_pad,), jnp.float32), dst_p)
    h1 = pl.pallas_call(
        _mm1_body,
        grid=grid,
        in_specs=[_row_spec(in_dim), _full_spec((in_dim, h1d))],
        out_specs=_row_spec(h1d),
        out_shape=jax.ShapeDtypeStruct((n_pad, h1d), jnp.float32),
    )(x_p, W1)
    h1s = pl.pallas_call(
        _scale_body,
        grid=grid,
        in_specs=[_row_spec(h1d), dp_spec],
        out_specs=_row_spec(h1d),
        out_shape=jax.ShapeDtypeStruct((n_pad, h1d), jnp.float32),
    )(h1, deg_parts)

    agg1 = _make_agg(n_pad, h1d, cpw, async_scatter=False)(h1s, src_p, dst_p)

    h2s = pl.pallas_call(
        _mm2_body,
        grid=grid,
        in_specs=[_part_spec(h1d, 0), _part_spec(h1d, 1), _row_spec(h1d),
                  dp_spec, _full_spec((1, h1d)), _full_spec((h1d, h2d))],
        out_specs=_row_spec(h2d),
        out_shape=jax.ShapeDtypeStruct((n_pad, h2d), jnp.float32),
    )(agg1, agg1, h1s, deg_parts, b1.reshape(1, -1), W2)

    agg2 = _make_agg(n_pad, h2d, cpw, async_scatter=True)(h2s, src_p, dst_p)

    emb, logits = pl.pallas_call(
        _mm3_body,
        grid=grid,
        in_specs=[_part_spec(h2d, 0), _part_spec(h2d, 1), _row_spec(h2d),
                  dp_spec, _full_spec((1, h2d)), _full_spec((h2d, od)),
                  _full_spec((1, od))],
        out_specs=[_row_spec(h2d), _row_spec(od)],
        out_shape=[jax.ShapeDtypeStruct((n, h2d), jnp.float32),
                   jax.ShapeDtypeStruct((n, od), jnp.float32)],
    )(agg2, agg2, h2s, deg_parts, b2.reshape(1, -1), fcW, fcb.reshape(1, -1))

    return emb, logits

# --- scband reference (transcript-rebuilt; emitter-appended) ---
"""Pipeline reference for scband-gcn-5686536700269 (READ-ONLY COPY).

The authoritative reference and input builder live on the scoring server;
editing this copy changes nothing except your own understanding.
"""

import jax, jax.numpy as jnp
import numpy as np

N_NODES = 10000
N_EDGES = 320000
IN_DIM = 128
HID = [64, 32]
OUT_DIM = 40


def setup_inputs(seed: int = 0) -> dict:
    key = jax.random.key(seed)
    ks = jax.random.split(key, 9)
    x = jax.random.normal(ks[0], (N_NODES, IN_DIM), dtype=jnp.float32)
    edge_index = jax.random.randint(ks[1], (2, N_EDGES), 0, N_NODES, dtype=jnp.int64)
    W1 = jax.random.normal(ks[2], (IN_DIM, HID[0]), dtype=jnp.float32) * (1.0 / np.sqrt(IN_DIM))
    b1 = jnp.zeros((HID[0],), dtype=jnp.float32)
    W2 = jax.random.normal(ks[3], (HID[0], HID[1]), dtype=jnp.float32) * (1.0 / np.sqrt(HID[0]))
    b2 = jnp.zeros((HID[1],), dtype=jnp.float32)
    fcW = jax.random.normal(ks[4], (HID[1], OUT_DIM), dtype=jnp.float32) * (1.0 / np.sqrt(HID[1]))
    fcb = jnp.zeros((OUT_DIM,), dtype=jnp.float32)
    return {"x": x, "edge_index": edge_index, "W1": W1, "b1": b1, "W2": W2, "b2": b2, "fcW": fcW, "fcb": fcb}


def _gcn_conv(x, edge_index, W, b, num_nodes):
    # GCNConv: x' = D^{-1/2} (A + I) D^{-1/2} X W + b
    src = edge_index[0]
    dst = edge_index[1]
    loop = jnp.arange(num_nodes, dtype=edge_index.dtype)
    src = jnp.concatenate([src, loop])
    dst = jnp.concatenate([dst, loop])
    deg = jax.ops.segment_sum(jnp.ones_like(dst, dtype=x.dtype), dst, num_segments=num_nodes)
    dinv = jnp.where(deg > 0, deg ** -0.5, 0.0)
    norm = dinv[src] * dinv[dst]
    h = x @ W
    msg = h[src] * norm[:, None]
    out = jax.ops.segment_sum(msg, dst, num_segments=num_nodes)
    return out + b


def reference(x, edge_index, W1, b1, W2, b2, fcW, fcb):
    n = x.shape[0]
    h = jax.nn.relu(_gcn_conv(x, edge_index, W1, b1, n))
    h = jax.nn.relu(_gcn_conv(h, edge_index, W2, b2, n))
    embedding = h
    logits = h @ fcW + fcb
    return (embedding, logits)

if __name__ == "__main__":
    import jax
    _d = setup_inputs()
    print(jax.jit(kernel)(*tuple(_d.values())))

</pallas_src>

<mosaic_0001>
#map = affine_map<(d0, d1) -> (0)>
#map1 = affine_map<(d0, d1) -> (0, 0)>
module attributes {stable_mosaic.version = 14 : i64} {
  func.func @deg(%arg0: i32, %arg1: i32, %arg2: memref<10240xf32, #tpu.memory_space<hbm>>, %arg3: memref<2560x128xi32, #tpu.memory_space<hbm>>, %arg4: memref<32x10240xf32, #tpu.memory_space<hbm>>, %arg5: memref<80x128xi32, #tpu.memory_space<vmem>>, %arg6: memref<10240xf32, #tpu.memory_space<vmem>>) attributes {dimension_semantics = [#tpu.dimension_semantics<core_parallel>, #tpu.dimension_semantics<subcore_parallel>], iteration_bounds = array<i64: 2, 16>, scalar_prefetch = 0 : i64, scratch_operands = 2 : i64, tpu.core_type = #tpu.core_type<sc_vector_subcore>, window_params = [{transform_indices = #map}, {transform_indices = #map1}, {transform_indices = #map1}]} {
    %mul3A = arith.constant 16 : i32
    %mul3A_0 = arith.muli %arg0, %mul3A : i32
    %add3A = arith.addi %mul3A_0, %arg1 : i32
    %mul3A_1 = arith.constant 80 : i32
    %mul3A_2 = arith.muli %add3A, %mul3A_1 : i32
    "tpu.region"() ({
      %run_scoped3A = tpu.sem_alloc : memref<!tpu.dma_semaphore, #tpu.memory_space<semaphore_mem>>
      %dma_start3A = arith.constant 0 : i32
      %dma_start3A_9 = tpu.memref_slice %arg3[%mul3A_2, %dma_start3A] : memref<2560x128xi32, #tpu.memory_space<hbm>> -> memref<80x128xi32, #tpu.memory_space<hbm>>
      %dma_start3A_10 = arith.constant 0 : i32
      %dma_start3A_11 = tpu.memref_slice %arg3[%mul3A_2, %dma_start3A_10] : memref<2560x128xi32, #tpu.memory_space<hbm>> -> memref<80x128xi32, #tpu.memory_space<hbm>>
      tpu.enqueue_dma source(%dma_start3A_11 : memref<80x128xi32, #tpu.memory_space<hbm>>) target(%arg5 : memref<80x128xi32, #tpu.memory_space<vmem>>) target_semaphore(%run_scoped3A : memref<!tpu.dma_semaphore, #tpu.memory_space<semaphore_mem>>)
      %dma_wait3A = arith.constant 0 : i32
      %dma_wait3A_12 = tpu.memref_slice %arg3[%mul3A_2, %dma_wait3A] : memref<2560x128xi32, #tpu.memory_space<hbm>> -> memref<80x128xi32, #tpu.memory_space<hbm>>
      %dma_wait3A_13 = arith.constant 0 : i32
      %dma_wait3A_14 = tpu.memref_slice %arg3[%mul3A_2, %dma_wait3A_13] : memref<2560x128xi32, #tpu.memory_space<hbm>> -> memref<80x128xi32, #tpu.memory_space<hbm>>
      tpu.wait_dma2 semaphore(%run_scoped3A : memref<!tpu.dma_semaphore, #tpu.memory_space<semaphore_mem>>) src(%dma_wait3A_14 : memref<80x128xi32, #tpu.memory_space<hbm>>) dst(%arg5 : memref<80x128xi32, #tpu.memory_space<vmem>>)
      tpu.yield
    }) : () -> ()
    "tpu.region"() ({
      %run_scoped3A = tpu.sem_alloc : memref<!tpu.dma_semaphore, #tpu.memory_space<semaphore_mem>>
      tpu.enqueue_dma source(%arg2 : memref<10240xf32, #tpu.memory_space<hbm>>) target(%arg6 : memref<10240xf32, #tpu.memory_space<vmem>>) target_semaphore(%run_scoped3A : memref<!tpu.dma_semaphore, #tpu.memory_space<semaphore_mem>>)
      tpu.wait_dma2 semaphore(%run_scoped3A : memref<!tpu.dma_semaphore, #tpu.memory_space<semaphore_mem>>) src(%arg2 : memref<10240xf32, #tpu.memory_space<hbm>>) dst(%arg6 : memref<10240xf32, #tpu.memory_space<vmem>>)
      tpu.yield
    }) : () -> ()
    %broadcast_in_dim3A = arith.constant 1.000000e+00 : f32
    %broadcast_in_dim3A_3 = vector.broadcast %broadcast_in_dim3A : f32 to vector<16xf32>
    %scan3A = arith.constant 0 : i32
    %scan3A_4 = arith.constant 0 : i32
    %scan3A_5 = arith.constant 80 : i32
    %scan3A_6 = arith.addi %scan3A_4, %scan3A_5 : i32
    %scan3A_7 = arith.constant 1 : i32
    scf.for %scan3A_9 = %scan3A_4 to %scan3A_6 step %scan3A_7  : i32 {
      %get3A = arith.index_cast %scan3A_9 : i32 to index
      %get3A_10 = arith.constant 0 : index
      %get3A_11 = tpu.vector_load %arg5[%get3A, %get3A_10] {strides = array<i32>} : memref<80x128xi32, #tpu.memory_space<vmem>>, vector<16xi32>,
      tpu.vector_store_idx %arg6[%get3A_11], %broadcast_in_dim3A_3 {add = true} : memref<10240xf32, #tpu.memory_space<vmem>>[vector<16xi32>], vector<16xf32>,
      %get3A_12 = arith.index_cast %scan3A_9 : i32 to index
      %get3A_13 = arith.constant 16 : index
      %get3A_14 = tpu.vector_load %arg5[%get3A_12, %get3A_13] {strides = array<i32>} : memref<80x128xi32, #tpu.memory_space<vmem>>, vector<16xi32>,
      tpu.vector_store_idx %arg6[%get3A_14], %broadcast_in_dim3A_3 {add = true} : memref<10240xf32, #tpu.memory_space<vmem>>[vector<16xi32>], vector<16xf32>,
      %get3A_15 = arith.index_cast %scan3A_9 : i32 to index
      %get3A_16 = arith.constant 32 : index
      %get3A_17 = tpu.vector_load %arg5[%get3A_15, %get3A_16] {strides = array<i32>} : memref<80x128xi32, #tpu.memory_space<vmem>>, vector<16xi32>,
      tpu.vector_store_idx %arg6[%get3A_17], %broadcast_in_dim3A_3 {add = true} : memref<10240xf32, #tpu.memory_space<vmem>>[vector<16xi32>], vector<16xf32>,
      %get3A_18 = arith.index_cast %scan3A_9 : i32 to index
      %get3A_19 = arith.constant 48 : index
      %get3A_20 = tpu.vector_load %arg5[%get3A_18, %get3A_19] {strides = array<i32>} : memref<80x128xi32, #tpu.memory_space<vmem>>, vector<16xi32>,
      tpu.vector_store_idx %arg6[%get3A_20], %broadcast_in_dim3A_3 {add = true} : memref<10240xf32, #tpu.memory_space<vmem>>[vector<16xi32>], vector<16xf32>,
      %get3A_21 = arith.index_cast %scan3A_9 : i32 to index
      %get3A_22 = arith.constant 64 : index
      %get3A_23 = tpu.vector_load %arg5[%get3A_21, %get3A_22] {strides = array<i32>} : memref<80x128xi32, #tpu.memory_space<vmem>>, vector<16xi32>,
      tpu.vector_store_idx %arg6[%get3A_23], %broadcast_in_dim3A_3 {add = true} : memref<10240xf32, #tpu.memory_space<vmem>>[vector<16xi32>], vector<16xf32>,
      %get3A_24 = arith.index_cast %scan3A_9 : i32 to index
      %get3A_25 = arith.constant 80 : index
      %get3A_26 = tpu.vector_load %arg5[%get3A_24, %get3A_25] {strides = array<i32>} : memref<80x128xi32, #tpu.memory_space<vmem>>, vector<16xi32>,
      tpu.vector_store_idx %arg6[%get3A_26], %broadcast_in_dim3A_3 {add = true} : memref<10240xf32, #tpu.memory_space<vmem>>[vector<16xi32>], vector<16xf32>,
      %get3A_27 = arith.index_cast %scan3A_9 : i32 to index
      %get3A_28 = arith.constant 96 : index
      %get3A_29 = tpu.vector_load %arg5[%get3A_27, %get3A_28] {strides = array<i32>} : memref<80x128xi32, #tpu.memory_space<vmem>>, vector<16xi32>,
      tpu.vector_store_idx %arg6[%get3A_29], %broadcast_in_dim3A_3 {add = true} : memref<10240xf32, #tpu.memory_space<vmem>>[vector<16xi32>], vector<16xf32>,
      %get3A_30 = arith.index_cast %scan3A_9 : i32 to index
      %get3A_31 = arith.constant 112 : index
      %get3A_32 = tpu.vector_load %arg5[%get3A_30, %get3A_31] {strides = array<i32>} : memref<80x128xi32, #tpu.memory_space<vmem>>, vector<16xi32>,
      tpu.vector_store_idx %arg6[%get3A_32], %broadcast_in_dim3A_3 {add = true} : memref<10240xf32, #tpu.memory_space<vmem>>[vector<16xi32>], vector<16xf32>,
    }
    %scan3A_8 = arith.constant 80 : i32
    "tpu.region"() ({
      %run_scoped3A = tpu.sem_alloc : memref<!tpu.dma_semaphore, #tpu.memory_space<semaphore_mem>>
      %dma_start3A = arith.constant 0 : i32
      %dma_start3A_9 = tpu.memref_slice %arg4[%add3A, %dma_start3A] : memref<32x10240xf32, #tpu.memory_space<hbm>> -> memref<1x10240xf32, #tpu.memory_space<hbm>>
      %dma_start3A_10 = tpu.memref_squeeze %dma_start3A_9 : memref<1x10240xf32, #tpu.memory_space<hbm>> -> memref<10240xf32, #tpu.memory_space<hbm>>
      %dma_start3A_11 = arith.constant 0 : i32
      %dma_start3A_12 = tpu.memref_slice %arg4[%add3A, %dma_start3A_11] : memref<32x10240xf32, #tpu.memory_space<hbm>> -> memref<1x10240xf32, #tpu.memory_space<hbm>>
      %dma_start3A_13 = tpu.memref_squeeze %dma_start3A_12 : memref<1x10240xf32, #tpu.memory_space<hbm>> -> memref<10240xf32, #tpu.memory_space<hbm>>
      tpu.enqueue_dma source(%arg6 : memref<10240xf32, #tpu.memory_space<vmem>>) target(%dma_start3A_13 : memref<10240xf32, #tpu.memory_space<hbm>>) target_semaphore(%run_scoped3A : memref<!tpu.dma_semaphore, #tpu.memory_space<semaphore_mem>>)
      %dma_wait3A = arith.constant 0 : i32
      %dma_wait3A_14 = tpu.memref_slice %arg4[%add3A, %dma_wait3A] : memref<32x10240xf32, #tpu.memory_space<hbm>> -> memref<1x10240xf32, #tpu.memory_space<hbm>>
      %dma_wait3A_15 = tpu.memref_squeeze %dma_wait3A_14 : memref<1x10240xf32, #tpu.memory_space<hbm>> -> memref<10240xf32, #tpu.memory_space<hbm>>
      %dma_wait3A_16 = arith.constant 0 : i32
      %dma_wait3A_17 = tpu.memref_slice %arg4[%add3A, %dma_wait3A_16] : memref<32x10240xf32, #tpu.memory_space<hbm>> -> memref<1x10240xf32, #tpu.memory_space<hbm>>
      %dma_wait3A_18 = tpu.memref_squeeze %dma_wait3A_17 : memref<1x10240xf32, #tpu.memory_space<hbm>> -> memref<10240xf32, #tpu.memory_space<hbm>>
      tpu.wait_dma2 semaphore(%run_scoped3A : memref<!tpu.dma_semaphore, #tpu.memory_space<semaphore_mem>>) src(%arg6 : memref<10240xf32, #tpu.memory_space<vmem>>) dst(%dma_wait3A_18 : memref<10240xf32, #tpu.memory_space<hbm>>)
      tpu.yield
    }) : () -> ()
    return
  }
}

#map = affine_map<(d0, d1) -> (0, 0)>
#map1 = affine_map<(d0, d1) -> (0, 0, 0)>
module attributes {stable_mosaic.version = 14 : i64} {
  func.func @agg(%arg0: i32, %arg1: i32, %arg2: memref<10240x32xf32, #tpu.memory_space<hbm>>, %arg3: memref<2560x128xi32, #tpu.memory_space<hbm>>, %arg4: memref<2560x128xi32, #tpu.memory_space<hbm>>, %arg5: memref<2x10240x32xf32, #tpu.memory_space<hbm>>, %arg6: memref<80x128xi32, #tpu.memory_space<vmem>>, %arg7: memref<80x128xi32, #tpu.memory_space<vmem>>, %arg8: memref<128x32xf32, #tpu.memory_space<vmem>>, %arg9: memref<128x32xf32, #tpu.memory_space<vmem>>, %arg10: memref<128x32xf32, #tpu.memory_space<vmem>>, %arg11: memref<128x32xf32, #tpu.memory_space<vmem>>, %arg12: memref<128x32xf32, #tpu.memory_space<vmem>>, %arg13: memref<128x32xf32, #tpu.memory_space<vmem>>, %arg14: memref<128x32xf32, #tpu.memory_space<vmem>>, %arg15: memref<128x32xf32, #tpu.memory_space<vmem>>, %arg16: memref<!tpu.dma_semaphore, #tpu.memory_space<semaphore_mem>>, %arg17: memref<!tpu.dma_semaphore, #tpu.memory_space<semaphore_mem>>, %arg18: memref<!tpu.dma_semaphore, #tpu.memory_space<semaphore_mem>>, %arg19: memref<!tpu.dma_semaphore, #tpu.memory_space<semaphore_mem>>, %arg20: memref<10240x32xf32, #tpu.memory_space<vmem_shared>>, %arg21: memref<10240x32xf32, #tpu.memory_space<vmem_shared>>) attributes {dimension_semantics = [#tpu.dimension_semantics<core_parallel>, #tpu.dimension_semantics<subcore_parallel>], iteration_bounds = array<i64: 2, 16>, scalar_prefetch = 0 : i64, scratch_operands = 16 : i64, tpu.core_type = #tpu.core_type<sc_vector_subcore>, window_params = [{transform_indices = #map}, {transform_indices = #map}, {transform_indices = #map}, {transform_indices = #map1}]} {
    %mul3A = arith.constant 16 : i32
    %mul3A_0 = arith.muli %arg0, %mul3A : i32
    %add3A = arith.addi %mul3A_0, %arg1 : i32
    %mul3A_1 = arith.constant 80 : i32
    %mul3A_2 = arith.muli %add3A, %mul3A_1 : i32
    "tpu.region"() ({
      %run_scoped3A = tpu.sem_alloc : memref<!tpu.dma_semaphore, #tpu.memory_space<semaphore_mem>>
      %dma_start3A_67 = arith.constant 0 : i32
      %dma_start3A_68 = tpu.memref_slice %arg3[%mul3A_2, %dma_start3A_67] : memref<2560x128xi32, #tpu.memory_space<hbm>> -> memref<80x128xi32, #tpu.memory_space<hbm>>
      %dma_start3A_69 = arith.constant 0 : i32
      %dma_start3A_70 = tpu.memref_slice %arg3[%mul3A_2, %dma_start3A_69] : memref<2560x128xi32, #tpu.memory_space<hbm>> -> memref<80x128xi32, #tpu.memory_space<hbm>>
      tpu.enqueue_dma source(%dma_start3A_70 : memref<80x128xi32, #tpu.memory_space<hbm>>) target(%arg6 : memref<80x128xi32, #tpu.memory_space<vmem>>) target_semaphore(%run_scoped3A : memref<!tpu.dma_semaphore, #tpu.memory_space<semaphore_mem>>)
      %dma_wait3A_71 = arith.constant 0 : i32
      %dma_wait3A_72 = tpu.memref_slice %arg3[%mul3A_2, %dma_wait3A_71] : memref<2560x128xi32, #tpu.memory_space<hbm>> -> memref<80x128xi32, #tpu.memory_space<hbm>>
      %dma_wait3A_73 = arith.constant 0 : i32
      %dma_wait3A_74 = tpu.memref_slice %arg3[%mul3A_2, %dma_wait3A_73] : memref<2560x128xi32, #tpu.memory_space<hbm>> -> memref<80x128xi32, #tpu.memory_space<hbm>>
      tpu.wait_dma2 semaphore(%run_scoped3A : memref<!tpu.dma_semaphore, #tpu.memory_space<semaphore_mem>>) src(%dma_wait3A_74 : memref<80x128xi32, #tpu.memory_space<hbm>>) dst(%arg6 : memref<80x128xi32, #tpu.memory_space<vmem>>)
      tpu.yield
    }) : () -> ()
    %mul3A_3 = arith.constant 80 : i32
    %mul3A_4 = arith.muli %add3A, %mul3A_3 : i32
    "tpu.region"() ({
      %run_scoped3A = tpu.sem_alloc : memref<!tpu.dma_semaphore, #tpu.memory_space<semaphore_mem>>
      %dma_start3A_67 = arith.constant 0 : i32
      %dma_start3A_68 = tpu.memref_slice %arg4[%mul3A_4, %dma_start3A_67] : memref<2560x128xi32, #tpu.memory_space<hbm>> -> memref<80x128xi32, #tpu.memory_space<hbm>>
      %dma_start3A_69 = arith.constant 0 : i32
      %dma_start3A_70 = tpu.memref_slice %arg4[%mul3A_4, %dma_start3A_69] : memref<2560x128xi32, #tpu.memory_space<hbm>> -> memref<80x128xi32, #tpu.memory_space<hbm>>
      tpu.enqueue_dma source(%dma_start3A_70 : memref<80x128xi32, #tpu.memory_space<hbm>>) target(%arg7 : memref<80x128xi32, #tpu.memory_space<vmem>>) target_semaphore(%run_scoped3A : memref<!tpu.dma_semaphore, #tpu.memory_space<semaphore_mem>>)
      %dma_wait3A_71 = arith.constant 0 : i32
      %dma_wait3A_72 = tpu.memref_slice %arg4[%mul3A_4, %dma_wait3A_71] : memref<2560x128xi32, #tpu.memory_space<hbm>> -> memref<80x128xi32, #tpu.memory_space<hbm>>
      %dma_wait3A_73 = arith.constant 0 : i32
      %dma_wait3A_74 = tpu.memref_slice %arg4[%mul3A_4, %dma_wait3A_73] : memref<2560x128xi32, #tpu.memory_space<hbm>> -> memref<80x128xi32, #tpu.memory_space<hbm>>
      tpu.wait_dma2 semaphore(%run_scoped3A : memref<!tpu.dma_semaphore, #tpu.memory_space<semaphore_mem>>) src(%dma_wait3A_74 : memref<80x128xi32, #tpu.memory_space<hbm>>) dst(%arg7 : memref<80x128xi32, #tpu.memory_space<vmem>>)
      tpu.yield
    }) : () -> ()
    %mul3A_5 = arith.constant 640 : i32
    %mul3A_6 = arith.muli %arg1, %mul3A_5 : i32
    "tpu.region"() ({
      %run_scoped3A = tpu.sem_alloc : memref<!tpu.dma_semaphore, #tpu.memory_space<semaphore_mem>>
      %dma_start3A_67 = arith.constant 0 : i32
      %dma_start3A_68 = tpu.memref_slice %arg21[%mul3A_6, %dma_start3A_67] : memref<10240x32xf32, #tpu.memory_space<vmem_shared>> -> memref<640x32xf32, #tpu.memory_space<vmem_shared>>
      %dma_start3A_69 = arith.constant 0 : i32
      %dma_start3A_70 = tpu.memref_slice %arg2[%mul3A_6, %dma_start3A_69] : memref<10240x32xf32, #tpu.memory_space<hbm>> -> memref<640x32xf32, #tpu.memory_space<hbm>>
      tpu.enqueue_dma source(%dma_start3A_70 : memref<640x32xf32, #tpu.memory_space<hbm>>) target(%dma_start3A_68 : memref<640x32xf32, #tpu.memory_space<vmem_shared>>) target_semaphore(%run_scoped3A : memref<!tpu.dma_semaphore, #tpu.memory_space<semaphore_mem>>)
      %dma_wait3A_71 = arith.constant 0 : i32
      %dma_wait3A_72 = tpu.memref_slice %arg21[%mul3A_6, %dma_wait3A_71] : memref<10240x32xf32, #tpu.memory_space<vmem_shared>> -> memref<640x32xf32, #tpu.memory_space<vmem_shared>>
      %dma_wait3A_73 = arith.constant 0 : i32
      %dma_wait3A_74 = tpu.memref_slice %arg2[%mul3A_6, %dma_wait3A_73] : memref<10240x32xf32, #tpu.memory_space<hbm>> -> memref<640x32xf32, #tpu.memory_space<hbm>>
      tpu.wait_dma2 semaphore(%run_scoped3A : memref<!tpu.dma_semaphore, #tpu.memory_space<semaphore_mem>>) src(%dma_wait3A_74 : memref<640x32xf32, #tpu.memory_space<hbm>>) dst(%dma_wait3A_72 : memref<640x32xf32, #tpu.memory_space<vmem_shared>>)
      tpu.yield
    }) : () -> ()
    "tpu.region"() ({
      %run_scoped3A = tpu.sem_alloc : memref<!tpu.dma_semaphore, #tpu.memory_space<semaphore_mem>>
      %dma_start3A_67 = arith.constant 0 : i32
      %dma_start3A_68 = tpu.memref_slice %arg20[%mul3A_6, %dma_start3A_67] : memref<10240x32xf32, #tpu.memory_space<vmem_shared>> -> memref<640x32xf32, #tpu.memory_space<vmem_shared>>
      %dma_start3A_69 = arith.constant 0 : i32
      %dma_start3A_70 = tpu.memref_slice %arg2[%mul3A_6, %dma_start3A_69] : memref<10240x32xf32, #tpu.memory_space<hbm>> -> memref<640x32xf32, #tpu.memory_space<hbm>>
      tpu.enqueue_dma source(%dma_start3A_70 : memref<640x32xf32, #tpu.memory_space<hbm>>) target(%dma_start3A_68 : memref<640x32xf32, #tpu.memory_space<vmem_shared>>) target_semaphore(%run_scoped3A : memref<!tpu.dma_semaphore, #tpu.memory_space<semaphore_mem>>)
      %dma_wait3A_71 = arith.constant 0 : i32
      %dma_wait3A_72 = tpu.memref_slice %arg20[%mul3A_6, %dma_wait3A_71] : memref<10240x32xf32, #tpu.memory_space<vmem_shared>> -> memref<640x32xf32, #tpu.memory_space<vmem_shared>>
      %dma_wait3A_73 = arith.constant 0 : i32
      %dma_wait3A_74 = tpu.memref_slice %arg2[%mul3A_6, %dma_wait3A_73] : memref<10240x32xf32, #tpu.memory_space<hbm>> -> memref<640x32xf32, #tpu.memory_space<hbm>>
      tpu.wait_dma2 semaphore(%run_scoped3A : memref<!tpu.dma_semaphore, #tpu.memory_space<semaphore_mem>>) src(%dma_wait3A_74 : memref<640x32xf32, #tpu.memory_space<hbm>>) dst(%dma_wait3A_72 : memref<640x32xf32, #tpu.memory_space<vmem_shared>>)
      tpu.yield
    }) : () -> ()
    %barrier3A = arith.constant 0 : index
    tpu.barrier barrier_id(%barrier3A)
    %dma_start3A = arith.constant 0 : i32
    %dma_start3A_7 = arith.constant 0 : i32
    %dma_start3A_8 = tpu.memref_slice %arg6[%dma_start3A, %dma_start3A_7] : memref<80x128xi32, #tpu.memory_space<vmem>> -> memref<1x128xi32, #tpu.memory_space<vmem>>
    %dma_start3A_9 = tpu.memref_squeeze %dma_start3A_8 : memref<1x128xi32, #tpu.memory_space<vmem>> -> memref<128xi32, #tpu.memory_space<vmem>>
    %dma_start3A_10 = arith.constant 0 : i32
    %dma_start3A_11 = arith.constant 0 : i32
    %dma_start3A_12 = tpu.memref_slice %arg21[%dma_start3A_10, %dma_start3A_11] : memref<10240x32xf32, #tpu.memory_space<vmem_shared>> -> memref<10240x32xf32, #tpu.memory_space<vmem_shared>>
    tpu.enqueue_indirect_dma source(%dma_start3A_12 : memref<10240x32xf32, #tpu.memory_space<vmem_shared>>) target(%arg8 : memref<128x32xf32, #tpu.memory_space<vmem>>) offsets(%dma_start3A_9 : memref<128xi32, #tpu.memory_space<vmem>>) semaphore(%arg16 : memref<!tpu.dma_semaphore, #tpu.memory_space<semaphore_mem>>)
    %dma_start3A_13 = arith.constant 1 : i32
    %dma_start3A_14 = arith.constant 0 : i32
    %dma_start3A_15 = tpu.memref_slice %arg6[%dma_start3A_13, %dma_start3A_14] : memref<80x128xi32, #tpu.memory_space<vmem>> -> memref<1x128xi32, #tpu.memory_space<vmem>>
    %dma_start3A_16 = tpu.memref_squeeze %dma_start3A_15 : memref<1x128xi32, #tpu.memory_space<vmem>> -> memref<128xi32, #tpu.memory_space<vmem>>
    %dma_start3A_17 = arith.constant 0 : i32
    %dma_start3A_18 = arith.constant 0 : i32
    %dma_start3A_19 = tpu.memref_slice %arg21[%dma_start3A_17, %dma_start3A_18] : memref<10240x32xf32, #tpu.memory_space<vmem_shared>> -> memref<10240x32xf32, #tpu.memory_space<vmem_shared>>
    tpu.enqueue_indirect_dma source(%dma_start3A_19 : memref<10240x32xf32, #tpu.memory_space<vmem_shared>>) target(%arg9 : memref<128x32xf32, #tpu.memory_space<vmem>>) offsets(%dma_start3A_16 : memref<128xi32, #tpu.memory_space<vmem>>) semaphore(%arg16 : memref<!tpu.dma_semaphore, #tpu.memory_space<semaphore_mem>>)
    %dma_start3A_20 = arith.constant 2 : i32
    %dma_start3A_21 = arith.constant 0 : i32
    %dma_start3A_22 = tpu.memref_slice %arg6[%dma_start3A_20, %dma_start3A_21] : memref<80x128xi32, #tpu.memory_space<vmem>> -> memref<1x128xi32, #tpu.memory_space<vmem>>
    %dma_start3A_23 = tpu.memref_squeeze %dma_start3A_22 : memref<1x128xi32, #tpu.memory_space<vmem>> -> memref<128xi32, #tpu.memory_space<vmem>>
    %dma_start3A_24 = arith.constant 0 : i32
    %dma_start3A_25 = arith.constant 0 : i32
    %dma_start3A_26 = tpu.memref_slice %arg21[%dma_start3A_24, %dma_start3A_25] : memref<10240x32xf32, #tpu.memory_space<vmem_shared>> -> memref<10240x32xf32, #tpu.memory_space<vmem_shared>>
    tpu.enqueue_indirect_dma source(%dma_start3A_26 : memref<10240x32xf32, #tpu.memory_space<vmem_shared>>) target(%arg10 : memref<128x32xf32, #tpu.memory_space<vmem>>) offsets(%dma_start3A_23 : memref<128xi32, #tpu.memory_space<vmem>>) semaphore(%arg16 : memref<!tpu.dma_semaphore, #tpu.memory_space<semaphore_mem>>)
    %dma_start3A_27 = arith.constant 3 : i32
    %dma_start3A_28 = arith.constant 0 : i32
    %dma_start3A_29 = tpu.memref_slice %arg6[%dma_start3A_27, %dma_start3A_28] : memref<80x128xi32, #tpu.memory_space<vmem>> -> memref<1x128xi32, #tpu.memory_space<vmem>>
    %dma_start3A_30 = tpu.memref_squeeze %dma_start3A_29 : memref<1x128xi32, #tpu.memory_space<vmem>> -> memref<128xi32, #tpu.memory_space<vmem>>
    %dma_start3A_31 = arith.constant 0 : i32
    %dma_start3A_32 = arith.constant 0 : i32
    %dma_start3A_33 = tpu.memref_slice %arg21[%dma_start3A_31, %dma_start3A_32] : memref<10240x32xf32, #tpu.memory_space<vmem_shared>> -> memref<10240x32xf32, #tpu.memory_space<vmem_shared>>
    tpu.enqueue_indirect_dma source(%dma_start3A_33 : memref<10240x32xf32, #tpu.memory_space<vmem_shared>>) target(%arg11 : memref<128x32xf32, #tpu.memory_space<vmem>>) offsets(%dma_start3A_30 : memref<128xi32, #tpu.memory_space<vmem>>) semaphore(%arg16 : memref<!tpu.dma_semaphore, #tpu.memory_space<semaphore_mem>>)
    %scan3A = arith.constant 0 : i32
    %scan3A_34 = arith.constant 0 : i32
    %scan3A_35 = arith.constant 10 : i32
    %scan3A_36 = arith.addi %scan3A_34, %scan3A_35 : i32
    %scan3A_37 = arith.constant 1 : i32
    scf.for %scan3A_67 = %scan3A_34 to %scan3A_36 step %scan3A_37  : i32 {
      %mul3A_68 = arith.constant 2 : i32
      %mul3A_69 = arith.muli %mul3A_68, %scan3A_67 : i32
      %mul3A_70 = arith.constant 2 : i32
      %mul3A_71 = arith.muli %mul3A_70, %scan3A_67 : i32
      %add3A_72 = arith.constant 1 : i32
      %add3A_73 = arith.addi %mul3A_71, %add3A_72 : i32
      %mul3A_74 = arith.constant 4 : i32
      %mul3A_75 = arith.muli %mul3A_69, %mul3A_74 : i32
      %add3A_76 = arith.constant 0 : i32
      %add3A_77 = arith.addi %mul3A_75, %add3A_76 : i32
      %dma_wait3A_78 = arith.constant 0 : i32
      %dma_wait3A_79 = tpu.memref_slice %arg6[%add3A_77, %dma_wait3A_78] : memref<80x128xi32, #tpu.memory_space<vmem>> -> memref<1x128xi32, #tpu.memory_space<vmem>>
      %dma_wait3A_80 = tpu.memref_squeeze %dma_wait3A_79 : memref<1x128xi32, #tpu.memory_space<vmem>> -> memref<128xi32, #tpu.memory_space<vmem>>
      %dma_wait3A_81 = arith.constant 0 : i32
      %dma_wait3A_82 = arith.constant 0 : i32
      %dma_wait3A_83 = tpu.memref_slice %arg21[%dma_wait3A_81, %dma_wait3A_82] : memref<10240x32xf32, #tpu.memory_space<vmem_shared>> -> memref<10240x32xf32, #tpu.memory_space<vmem_shared>>
      tpu.wait_indirect_dma semaphore(%arg16 : memref<!tpu.dma_semaphore, #tpu.memory_space<semaphore_mem>>) src(%dma_wait3A_83 : memref<10240x32xf32, #tpu.memory_space<vmem_shared>>) dst(%arg8 : memref<128x32xf32, #tpu.memory_space<vmem>>)
      %mul3A_84 = arith.constant 4 : i32
      %mul3A_85 = arith.muli %mul3A_69, %mul3A_84 : i32
      %add3A_86 = arith.constant 1 : i32
      %add3A_87 = arith.addi %mul3A_85, %add3A_86 : i32
      %dma_wait3A_88 = arith.constant 0 : i32
      %dma_wait3A_89 = tpu.memref_slice %arg6[%add3A_87, %dma_wait3A_88] : memref<80x128xi32, #tpu.memory_space<vmem>> -> memref<1x128xi32, #tpu.memory_space<vmem>>
      %dma_wait3A_90 = tpu.memref_squeeze %dma_wait3A_89 : memref<1x128xi32, #tpu.memory_space<vmem>> -> memref<128xi32, #tpu.memory_space<vmem>>
      %dma_wait3A_91 = arith.constant 0 : i32
      %dma_wait3A_92 = arith.constant 0 : i32
      %dma_wait3A_93 = tpu.memref_slice %arg21[%dma_wait3A_91, %dma_wait3A_92] : memref<10240x32xf32, #tpu.memory_space<vmem_shared>> -> memref<10240x32xf32, #tpu.memory_space<vmem_shared>>
      tpu.wait_indirect_dma semaphore(%arg16 : memref<!tpu.dma_semaphore, #tpu.memory_space<semaphore_mem>>) src(%dma_wait3A_93 : memref<10240x32xf32, #tpu.memory_space<vmem_shared>>) dst(%arg9 : memref<128x32xf32, #tpu.memory_space<vmem>>)
      %mul3A_94 = arith.constant 4 : i32
      %mul3A_95 = arith.muli %mul3A_69, %mul3A_94 : i32
      %add3A_96 = arith.constant 2 : i32
      %add3A_97 = arith.addi %mul3A_95, %add3A_96 : i32
      %dma_wait3A_98 = arith.constant 0 : i32
      %dma_wait3A_99 = tpu.memref_slice %arg6[%add3A_97, %dma_wait3A_98] : memref<80x128xi32, #tpu.memory_space<vmem>> -> memref<1x128xi32, #tpu.memory_space<vmem>>
      %dma_wait3A_100 = tpu.memref_squeeze %dma_wait3A_99 : memref<1x128xi32, #tpu.memory_space<vmem>> -> memref<128xi32, #tpu.memory_space<vmem>>
      %dma_wait3A_101 = arith.constant 0 : i32
      %dma_wait3A_102 = arith.constant 0 : i32
      %dma_wait3A_103 = tpu.memref_slice %arg21[%dma_wait3A_101, %dma_wait3A_102] : memref<10240x32xf32, #tpu.memory_space<vmem_shared>> -> memref<10240x32xf32, #tpu.memory_space<vmem_shared>>
      tpu.wait_indirect_dma semaphore(%arg16 : memref<!tpu.dma_semaphore, #tpu.memory_space<semaphore_mem>>) src(%dma_wait3A_103 : memref<10240x32xf32, #tpu.memory_space<vmem_shared>>) dst(%arg10 : memref<128x32xf32, #tpu.memory_space<vmem>>)
      %mul3A_104 = arith.constant 4 : i32
      %mul3A_105 = arith.muli %mul3A_69, %mul3A_104 : i32
      %add3A_106 = arith.constant 3 : i32
      %add3A_107 = arith.addi %mul3A_105, %add3A_106 : i32
      %dma_wait3A_108 = arith.constant 0 : i32
      %dma_wait3A_109 = tpu.memref_slice %arg6[%add3A_107, %dma_wait3A_108] : memref<80x128xi32, #tpu.memory_space<vmem>> -> memref<1x128xi32, #tpu.memory_space<vmem>>
      %dma_wait3A_110 = tpu.memref_squeeze %dma_wait3A_109 : memref<1x128xi32, #tpu.memory_space<vmem>> -> memref<128xi32, #tpu.memory_space<vmem>>
      %dma_wait3A_111 = arith.constant 0 : i32
      %dma_wait3A_112 = arith.constant 0 : i32
      %dma_wait3A_113 = tpu.memref_slice %arg21[%dma_wait3A_111, %dma_wait3A_112] : memref<10240x32xf32, #tpu.memory_space<vmem_shared>> -> memref<10240x32xf32, #tpu.memory_space<vmem_shared>>
      tpu.wait_indirect_dma semaphore(%arg16 : memref<!tpu.dma_semaphore, #tpu.memory_space<semaphore_mem>>) src(%dma_wait3A_113 : memref<10240x32xf32, #tpu.memory_space<vmem_shared>>) dst(%arg11 : memref<128x32xf32, #tpu.memory_space<vmem>>)
      %ge3A = arith.constant 2 : i32
      %ge3A_114 = arith.cmpi sge, %mul3A_69, %ge3A : i32
      %convert_element_type3A = arith.extui %ge3A_114 : i1 to i32
      %cond3A = arith.constant 0 : i32
      %cond3A_115 = arith.cmpi ne, %convert_element_type3A, %cond3A : i32
      scf.if %cond3A_115 {
        %sub3A = arith.constant 1 : i32
        %sub3A_322 = arith.subi %mul3A_69, %sub3A : i32
        %mul3A_323 = arith.constant 4 : i32
        %mul3A_324 = arith.muli %sub3A_322, %mul3A_323 : i32
        %add3A_325 = arith.constant 0 : i32
        %add3A_326 = arith.addi %mul3A_324, %add3A_325 : i32
        %dma_wait3A_327 = arith.constant 0 : i32
        %dma_wait3A_328 = tpu.memref_slice %arg7[%add3A_326, %dma_wait3A_327] : memref<80x128xi32, #tpu.memory_space<vmem>> -> memref<1x128xi32, #tpu.memory_space<vmem>>
        %dma_wait3A_329 = tpu.memref_squeeze %dma_wait3A_328 : memref<1x128xi32, #tpu.memory_space<vmem>> -> memref<128xi32, #tpu.memory_space<vmem>>
        %dma_wait3A_330 = arith.constant 0 : i32
        %dma_wait3A_331 = arith.constant 0 : i32
        %dma_wait3A_332 = tpu.memref_slice %arg20[%dma_wait3A_330, %dma_wait3A_331] : memref<10240x32xf32, #tpu.memory_space<vmem_shared>> -> memref<10240x32xf32, #tpu.memory_space<vmem_shared>>
        tpu.wait_indirect_dma semaphore(%arg19 : memref<!tpu.dma_semaphore, #tpu.memory_space<semaphore_mem>>) src(%arg12 : memref<128x32xf32, #tpu.memory_space<vmem>>) dst(%dma_wait3A_332 : memref<10240x32xf32, #tpu.memory_space<vmem_shared>>)
        %mul3A_333 = arith.constant 4 : i32
        %mul3A_334 = arith.muli %sub3A_322, %mul3A_333 : i32
        %add3A_335 = arith.constant 1 : i32
        %add3A_336 = arith.addi %mul3A_334, %add3A_335 : i32
        %dma_wait3A_337 = arith.constant 0 : i32
        %dma_wait3A_338 = tpu.memref_slice %arg7[%add3A_336, %dma_wait3A_337] : memref<80x128xi32, #tpu.memory_space<vmem>> -> memref<1x128xi32, #tpu.memory_space<vmem>>
        %dma_wait3A_339 = tpu.memref_squeeze %dma_wait3A_338 : memref<1x128xi32, #tpu.memory_space<vmem>> -> memref<128xi32, #tpu.memory_space<vmem>>
        %dma_wait3A_340 = arith.constant 0 : i32
        %dma_wait3A_341 = arith.constant 0 : i32
        %dma_wait3A_342 = tpu.memref_slice %arg20[%dma_wait3A_340, %dma_wait3A_341] : memref<10240x32xf32, #tpu.memory_space<vmem_shared>> -> memref<10240x32xf32, #tpu.memory_space<vmem_shared>>
        tpu.wait_indirect_dma semaphore(%arg19 : memref<!tpu.dma_semaphore, #tpu.memory_space<semaphore_mem>>) src(%arg13 : memref<128x32xf32, #tpu.memory_space<vmem>>) dst(%dma_wait3A_342 : memref<10240x32xf32, #tpu.memory_space<vmem_shared>>)
        %mul3A_343 = arith.constant 4 : i32
        %mul3A_344 = arith.muli %sub3A_322, %mul3A_343 : i32
        %add3A_345 = arith.constant 2 : i32
        %add3A_346 = arith.addi %mul3A_344, %add3A_345 : i32
        %dma_wait3A_347 = arith.constant 0 : i32
        %dma_wait3A_348 = tpu.memref_slice %arg7[%add3A_346, %dma_wait3A_347] : memref<80x128xi32, #tpu.memory_space<vmem>> -> memref<1x128xi32, #tpu.memory_space<vmem>>
        %dma_wait3A_349 = tpu.memref_squeeze %dma_wait3A_348 : memref<1x128xi32, #tpu.memory_space<vmem>> -> memref<128xi32, #tpu.memory_space<vmem>>
        %dma_wait3A_350 = arith.constant 0 : i32
        %dma_wait3A_351 = arith.constant 0 : i32
        %dma_wait3A_352 = tpu.memref_slice %arg20[%dma_wait3A_350, %dma_wait3A_351] : memref<10240x32xf32, #tpu.memory_space<vmem_shared>> -> memref<10240x32xf32, #tpu.memory_space<vmem_shared>>
        tpu.wait_indirect_dma semaphore(%arg19 : memref<!tpu.dma_semaphore, #tpu.memory_space<semaphore_mem>>) src(%arg14 : memref<128x32xf32, #tpu.memory_space<vmem>>) dst(%dma_wait3A_352 : memref<10240x32xf32, #tpu.memory_space<vmem_shared>>)
        %mul3A_353 = arith.constant 4 : i32
        %mul3A_354 = arith.muli %sub3A_322, %mul3A_353 : i32
        %add3A_355 = arith.constant 3 : i32
        %add3A_356 = arith.addi %mul3A_354, %add3A_355 : i32
        %dma_wait3A_357 = arith.constant 0 : i32
        %dma_wait3A_358 = tpu.memref_slice %arg7[%add3A_356, %dma_wait3A_357] : memref<80x128xi32, #tpu.memory_space<vmem>> -> memref<1x128xi32, #tpu.memory_space<vmem>>
        %dma_wait3A_359 = tpu.memref_squeeze %dma_wait3A_358 : memref<1x128xi32, #tpu.memory_space<vmem>> -> memref<128xi32, #tpu.memory_space<vmem>>
        %dma_wait3A_360 = arith.constant 0 : i32
        %dma_wait3A_361 = arith.constant 0 : i32
        %dma_wait3A_362 = tpu.memref_slice %arg20[%dma_wait3A_360, %dma_wait3A_361] : memref<10240x32xf32, #tpu.memory_space<vmem_shared>> -> memref<10240x32xf32, #tpu.memory_space<vmem_shared>>
        tpu.wait_indirect_dma semaphore(%arg19 : memref<!tpu.dma_semaphore, #tpu.memory_space<semaphore_mem>>) src(%arg15 : memref<128x32xf32, #tpu.memory_space<vmem>>) dst(%dma_wait3A_362 : memref<10240x32xf32, #tpu.memory_space<vmem_shared>>)
      } else {
      }
      %mul3A_116 = arith.constant 4 : i32
      %mul3A_117 = arith.muli %add3A_73, %mul3A_116 : i32
      %add3A_118 = arith.constant 0 : i32
      %add3A_119 = arith.addi %mul3A_117, %add3A_118 : i32
      %dma_start3A_120 = arith.constant 0 : i32
      %dma_start3A_121 = tpu.memref_slice %arg6[%add3A_119, %dma_start3A_120] : memref<80x128xi32, #tpu.memory_space<vmem>> -> memref<1x128xi32, #tpu.memory_space<vmem>>
      %dma_start3A_122 = tpu.memref_squeeze %dma_start3A_121 : memref<1x128xi32, #tpu.memory_space<vmem>> -> memref<128xi32, #tpu.memory_space<vmem>>
      %dma_start3A_123 = arith.constant 0 : i32
      %dma_start3A_124 = arith.constant 0 : i32
      %dma_start3A_125 = tpu.memref_slice %arg21[%dma_start3A_123, %dma_start3A_124] : memref<10240x32xf32, #tpu.memory_space<vmem_shared>> -> memref<10240x32xf32, #tpu.memory_space<vmem_shared>>
      tpu.enqueue_indirect_dma source(%dma_start3A_125 : memref<10240x32xf32, #tpu.memory_space<vmem_shared>>) target(%arg12 : memref<128x32xf32, #tpu.memory_space<vmem>>) offsets(%dma_start3A_122 : memref<128xi32, #tpu.memory_space<vmem>>) semaphore(%arg17 : memref<!tpu.dma_semaphore, #tpu.memory_space<semaphore_mem>>)
      %mul3A_126 = arith.constant 4 : i32
      %mul3A_127 = arith.muli %add3A_73, %mul3A_126 : i32
      %add3A_128 = arith.constant 1 : i32
      %add3A_129 = arith.addi %mul3A_127, %add3A_128 : i32
      %dma_start3A_130 = arith.constant 0 : i32
      %dma_start3A_131 = tpu.memref_slice %arg6[%add3A_129, %dma_start3A_130] : memref<80x128xi32, #tpu.memory_space<vmem>> -> memref<1x128xi32, #tpu.memory_space<vmem>>
      %dma_start3A_132 = tpu.memref_squeeze %dma_start3A_131 : memref<1x128xi32, #tpu.memory_space<vmem>> -> memref<128xi32, #tpu.memory_space<vmem>>
      %dma_start3A_133 = arith.constant 0 : i32
      %dma_start3A_134 = arith.constant 0 : i32
      %dma_start3A_135 = tpu.memref_slice %arg21[%dma_start3A_133, %dma_start3A_134] : memref<10240x32xf32, #tpu.memory_space<vmem_shared>> -> memref<10240x32xf32, #tpu.memory_space<vmem_shared>>
      tpu.enqueue_indirect_dma source(%dma_start3A_135 : memref<10240x32xf32, #tpu.memory_space<vmem_shared>>) target(%arg13 : memref<128x32xf32, #tpu.memory_space<vmem>>) offsets(%dma_start3A_132 : memref<128xi32, #tpu.memory_space<vmem>>) semaphore(%arg17 : memref<!tpu.dma_semaphore, #tpu.memory_space<semaphore_mem>>)
      %mul3A_136 = arith.constant 4 : i32
      %mul3A_137 = arith.muli %add3A_73, %mul3A_136 : i32
      %add3A_138 = arith.constant 2 : i32
      %add3A_139 = arith.addi %mul3A_137, %add3A_138 : i32
      %dma_start3A_140 = arith.constant 0 : i32
      %dma_start3A_141 = tpu.memref_slice %arg6[%add3A_139, %dma_start3A_140] : memref<80x128xi32, #tpu.memory_space<vmem>> -> memref<1x128xi32, #tpu.memory_space<vmem>>
      %dma_start3A_142 = tpu.memref_squeeze %dma_start3A_141 : memref<1x128xi32, #tpu.memory_space<vmem>> -> memref<128xi32, #tpu.memory_space<vmem>>
      %dma_start3A_143 = arith.constant 0 : i32
      %dma_start3A_144 = arith.constant 0 : i32
      %dma_start3A_145 = tpu.memref_slice %arg21[%dma_start3A_143, %dma_start3A_144] : memref<10240x32xf32, #tpu.memory_space<vmem_shared>> -> memref<10240x32xf32, #tpu.memory_space<vmem_shared>>
      tpu.enqueue_indirect_dma source(%dma_start3A_145 : memref<10240x32xf32, #tpu.memory_space<vmem_shared>>) target(%arg14 : memref<128x32xf32, #tpu.memory_space<vmem>>) offsets(%dma_start3A_142 : memref<128xi32, #tpu.memory_space<vmem>>) semaphore(%arg17 : memref<!tpu.dma_semaphore, #tpu.memory_space<semaphore_mem>>)
      %mul3A_146 = arith.constant 4 : i32
      %mul3A_147 = arith.muli %add3A_73, %mul3A_146 : i32
      %add3A_148 = arith.constant 3 : i32
      %add3A_149 = arith.addi %mul3A_147, %add3A_148 : i32
      %dma_start3A_150 = arith.constant 0 : i32
      %dma_start3A_151 = tpu.memref_slice %arg6[%add3A_149, %dma_start3A_150] : memref<80x128xi32, #tpu.memory_space<vmem>> -> memref<1x128xi32, #tpu.memory_space<vmem>>
      %dma_start3A_152 = tpu.memref_squeeze %dma_start3A_151 : memref<1x128xi32, #tpu.memory_space<vmem>> -> memref<128xi32, #tpu.memory_space<vmem>>
      %dma_start3A_153 = arith.constant 0 : i32
      %dma_start3A_154 = arith.constant 0 : i32
      %dma_start3A_155 = tpu.memref_slice %arg21[%dma_start3A_153, %dma_start3A_154] : memref<10240x32xf32, #tpu.memory_space<vmem_shared>> -> memref<10240x32xf32, #tpu.memory_space<vmem_shared>>
      tpu.enqueue_indirect_dma source(%dma_start3A_155 : memref<10240x32xf32, #tpu.memory_space<vmem_shared>>) target(%arg15 : memref<128x32xf32, #tpu.memory_space<vmem>>) offsets(%dma_start3A_152 : memref<128xi32, #tpu.memory_space<vmem>>) semaphore(%arg17 : memref<!tpu.dma_semaphore, #tpu.memory_space<semaphore_mem>>)
      %mul3A_156 = arith.constant 4 : i32
      %mul3A_157 = arith.muli %mul3A_69, %mul3A_156 : i32
      %add3A_158 = arith.constant 0 : i32
      %add3A_159 = arith.addi %mul3A_157, %add3A_158 : i32
      %dma_start3A_160 = arith.constant 0 : i32
      %dma_start3A_161 = tpu.memref_slice %arg7[%add3A_159, %dma_start3A_160] : memref<80x128xi32, #tpu.memory_space<vmem>> -> memref<1x128xi32, #tpu.memory_space<vmem>>
      %dma_start3A_162 = tpu.memref_squeeze %dma_start3A_161 : memref<1x128xi32, #tpu.memory_space<vmem>> -> memref<128xi32, #tpu.memory_space<vmem>>
      %dma_start3A_163 = arith.constant 0 : i32
      %dma_start3A_164 = arith.constant 0 : i32
      %dma_start3A_165 = tpu.memref_slice %arg20[%dma_start3A_163, %dma_start3A_164] : memref<10240x32xf32, #tpu.memory_space<vmem_shared>> -> memref<10240x32xf32, #tpu.memory_space<vmem_shared>>
      tpu.enqueue_indirect_dma source(%arg8 : memref<128x32xf32, #tpu.memory_space<vmem>>) target(%dma_start3A_165 : memref<10240x32xf32, #tpu.memory_space<vmem_shared>>) offsets(%dma_start3A_162 : memref<128xi32, #tpu.memory_space<vmem>>) semaphore(%arg18 : memref<!tpu.dma_semaphore, #tpu.memory_space<semaphore_mem>>) {add = true}
      %mul3A_166 = arith.constant 4 : i32
      %mul3A_167 = arith.muli %mul3A_69, %mul3A_166 : i32
      %add3A_168 = arith.constant 1 : i32
      %add3A_169 = arith.addi %mul3A_167, %add3A_168 : i32
      %dma_start3A_170 = arith.constant 0 : i32
      %dma_start3A_171 = tpu.memref_slice %arg7[%add3A_169, %dma_start3A_170] : memref<80x128xi32, #tpu.memory_space<vmem>> -> memref<1x128xi32, #tpu.memory_space<vmem>>
      %dma_start3A_172 = tpu.memref_squeeze %dma_start3A_171 : memref<1x128xi32, #tpu.memory_space<vmem>> -> memref<128xi32, #tpu.memory_space<vmem>>
      %dma_start3A_173 = arith.constant 0 : i32
      %dma_start3A_174 = arith.constant 0 : i32
      %dma_start3A_175 = tpu.memref_slice %arg20[%dma_start3A_173, %dma_start3A_174] : memref<10240x32xf32, #tpu.memory_space<vmem_shared>> -> memref<10240x32xf32, #tpu.memory_space<vmem_shared>>
      tpu.enqueue_indirect_dma source(%arg9 : memref<128x32xf32, #tpu.memory_space<vmem>>) target(%dma_start3A_175 : memref<10240x32xf32, #tpu.memory_space<vmem_shared>>) offsets(%dma_start3A_172 : memref<128xi32, #tpu.memory_space<vmem>>) semaphore(%arg18 : memref<!tpu.dma_semaphore, #tpu.memory_space<semaphore_mem>>) {add = true}
      %mul3A_176 = arith.constant 4 : i32
      %mul3A_177 = arith.muli %mul3A_69, %mul3A_176 : i32
      %add3A_178 = arith.constant 2 : i32
      %add3A_179 = arith.addi %mul3A_177, %add3A_178 : i32
      %dma_start3A_180 = arith.constant 0 : i32
      %dma_start3A_181 = tpu.memref_slice %arg7[%add3A_179, %dma_start3A_180] : memref<80x128xi32, #tpu.memory_space<vmem>> -> memref<1x128xi32, #tpu.memory_space<vmem>>
      %dma_start3A_182 = tpu.memref_squeeze %dma_start3A_181 : memref<1x128xi32, #tpu.memory_space<vmem>> -> memref<128xi32, #tpu.memory_space<vmem>>
      %dma_start3A_183 = arith.constant 0 : i32
      %dma_start3A_184 = arith.constant 0 : i32
      %dma_start3A_185 = tpu.memref_slice %arg20[%dma_start3A_183, %dma_start3A_184] : memref<10240x32xf32, #tpu.memory_space<vmem_shared>> -> memref<10240x32xf32, #tpu.memory_space<vmem_shared>>
      tpu.enqueue_indirect_dma source(%arg10 : memref<128x32xf32, #tpu.memory_space<vmem>>) target(%dma_start3A_185 : memref<10240x32xf32, #tpu.memory_space<vmem_shared>>) offsets(%dma_start3A_182 : memref<128xi32, #tpu.memory_space<vmem>>) semaphore(%arg18 : memref<!tpu.dma_semaphore, #tpu.memory_space<semaphore_mem>>) {add = true}
      %mul3A_186 = arith.constant 4 : i32
      %mul3A_187 = arith.muli %mul3A_69, %mul3A_186 : i32
      %add3A_188 = arith.constant 3 : i32
      %add3A_189 = arith.addi %mul3A_187, %add3A_188 : i32
      %dma_start3A_190 = arith.constant 0 : i32
      %dma_start3A_191 = tpu.memref_slice %arg7[%add3A_189, %dma_start3A_190] : memref<80x128xi32, #tpu.memory_space<vmem>> -> memref<1x128xi32, #tpu.memory_space<vmem>>
      %dma_start3A_192 = tpu.memref_squeeze %dma_start3A_191 : memref<1x128xi32, #tpu.memory_space<vmem>> -> memref<128xi32, #tpu.memory_space<vmem>>
      %dma_start3A_193 = arith.constant 0 : i32
      %dma_start3A_194 = arith.constant 0 : i32
      %dma_start3A_195 = tpu.memref_slice %arg20[%dma_start3A_193, %dma_start3A_194] : memref<10240x32xf32, #tpu.memory_space<vmem_shared>> -> memref<10240x32xf32, #tpu.memory_space<vmem_shared>>
      tpu.enqueue_indirect_dma source(%arg11 : memref<128x32xf32, #tpu.memory_space<vmem>>) target(%dma_start3A_195 : memref<10240x32xf32, #tpu.memory_space<vmem_shared>>) offsets(%dma_start3A_192 : memref<128xi32, #tpu.memory_space<vmem>>) semaphore(%arg18 : memref<!tpu.dma_semaphore, #tpu.memory_space<semaphore_mem>>) {add = true}
      %mul3A_196 = arith.constant 4 : i32
      %mul3A_197 = arith.muli %add3A_73, %mul3A_196 : i32
      %add3A_198 = arith.constant 0 : i32
      %add3A_199 = arith.addi %mul3A_197, %add3A_198 : i32
      %dma_wait3A_200 = arith.constant 0 : i32
      %dma_wait3A_201 = tpu.memref_slice %arg6[%add3A_199, %dma_wait3A_200] : memref<80x128xi32, #tpu.memory_space<vmem>> -> memref<1x128xi32, #tpu.memory_space<vmem>>
      %dma_wait3A_202 = tpu.memref_squeeze %dma_wait3A_201 : memref<1x128xi32, #tpu.memory_space<vmem>> -> memref<128xi32, #tpu.memory_space<vmem>>
      %dma_wait3A_203 = arith.constant 0 : i32
      %dma_wait3A_204 = arith.constant 0 : i32
      %dma_wait3A_205 = tpu.memref_slice %arg21[%dma_wait3A_203, %dma_wait3A_204] : memref<10240x32xf32, #tpu.memory_space<vmem_shared>> -> memref<10240x32xf32, #tpu.memory_space<vmem_shared>>
      tpu.wait_indirect_dma semaphore(%arg17 : memref<!tpu.dma_semaphore, #tpu.memory_space<semaphore_mem>>) src(%dma_wait3A_205 : memref<10240x32xf32, #tpu.memory_space<vmem_shared>>) dst(%arg12 : memref<128x32xf32, #tpu.memory_space<vmem>>)
      %mul3A_206 = arith.constant 4 : i32
      %mul3A_207 = arith.muli %add3A_73, %mul3A_206 : i32
      %add3A_208 = arith.constant 1 : i32
      %add3A_209 = arith.addi %mul3A_207, %add3A_208 : i32
      %dma_wait3A_210 = arith.constant 0 : i32
      %dma_wait3A_211 = tpu.memref_slice %arg6[%add3A_209, %dma_wait3A_210] : memref<80x128xi32, #tpu.memory_space<vmem>> -> memref<1x128xi32, #tpu.memory_space<vmem>>
      %dma_wait3A_212 = tpu.memref_squeeze %dma_wait3A_211 : memref<1x128xi32, #tpu.memory_space<vmem>> -> memref<128xi32, #tpu.memory_space<vmem>>
      %dma_wait3A_213 = arith.constant 0 : i32
      %dma_wait3A_214 = arith.constant 0 : i32
      %dma_wait3A_215 = tpu.memref_slice %arg21[%dma_wait3A_213, %dma_wait3A_214] : memref<10240x32xf32, #tpu.memory_space<vmem_shared>> -> memref<10240x32xf32, #tpu.memory_space<vmem_shared>>
      tpu.wait_indirect_dma semaphore(%arg17 : memref<!tpu.dma_semaphore, #tpu.memory_space<semaphore_mem>>) src(%dma_wait3A_215 : memref<10240x32xf32, #tpu.memory_space<vmem_shared>>) dst(%arg13 : memref<128x32xf32, #tpu.memory_space<vmem>>)
      %mul3A_216 = arith.constant 4 : i32
      %mul3A_217 = arith.muli %add3A_73, %mul3A_216 : i32
      %add3A_218 = arith.constant 2 : i32
      %add3A_219 = arith.addi %mul3A_217, %add3A_218 : i32
      %dma_wait3A_220 = arith.constant 0 : i32
      %dma_wait3A_221 = tpu.memref_slice %arg6[%add3A_219, %dma_wait3A_220] : memref<80x128xi32, #tpu.memory_space<vmem>> -> memref<1x128xi32, #tpu.memory_space<vmem>>
      %dma_wait3A_222 = tpu.memref_squeeze %dma_wait3A_221 : memref<1x128xi32, #tpu.memory_space<vmem>> -> memref<128xi32, #tpu.memory_space<vmem>>
      %dma_wait3A_223 = arith.constant 0 : i32
      %dma_wait3A_224 = arith.constant 0 : i32
      %dma_wait3A_225 = tpu.memref_slice %arg21[%dma_wait3A_223, %dma_wait3A_224] : memref<10240x32xf32, #tpu.memory_space<vmem_shared>> -> memref<10240x32xf32, #tpu.memory_space<vmem_shared>>
      tpu.wait_indirect_dma semaphore(%arg17 : memref<!tpu.dma_semaphore, #tpu.memory_space<semaphore_mem>>) src(%dma_wait3A_225 : memref<10240x32xf32, #tpu.memory_space<vmem_shared>>) dst(%arg14 : memref<128x32xf32, #tpu.memory_space<vmem>>)
      %mul3A_226 = arith.constant 4 : i32
      %mul3A_227 = arith.muli %add3A_73, %mul3A_226 : i32
      %add3A_228 = arith.constant 3 : i32
      %add3A_229 = arith.addi %mul3A_227, %add3A_228 : i32
      %dma_wait3A_230 = arith.constant 0 : i32
      %dma_wait3A_231 = tpu.memref_slice %arg6[%add3A_229, %dma_wait3A_230] : memref<80x128xi32, #tpu.memory_space<vmem>> -> memref<1x128xi32, #tpu.memory_space<vmem>>
      %dma_wait3A_232 = tpu.memref_squeeze %dma_wait3A_231 : memref<1x128xi32, #tpu.memory_space<vmem>> -> memref<128xi32, #tpu.memory_space<vmem>>
      %dma_wait3A_233 = arith.constant 0 : i32
      %dma_wait3A_234 = arith.constant 0 : i32
      %dma_wait3A_235 = tpu.memref_slice %arg21[%dma_wait3A_233, %dma_wait3A_234] : memref<10240x32xf32, #tpu.memory_space<vmem_shared>> -> memref<10240x32xf32, #tpu.memory_space<vmem_shared>>
      tpu.wait_indirect_dma semaphore(%arg17 : memref<!tpu.dma_semaphore, #tpu.memory_space<semaphore_mem>>) src(%dma_wait3A_235 : memref<10240x32xf32, #tpu.memory_space<vmem_shared>>) dst(%arg15 : memref<128x32xf32, #tpu.memory_space<vmem>>)
      %mul3A_236 = arith.constant 4 : i32
      %mul3A_237 = arith.muli %mul3A_69, %mul3A_236 : i32
      %add3A_238 = arith.constant 0 : i32
      %add3A_239 = arith.addi %mul3A_237, %add3A_238 : i32
      %dma_wait3A_240 = arith.constant 0 : i32
      %dma_wait3A_241 = tpu.memref_slice %arg7[%add3A_239, %dma_wait3A_240] : memref<80x128xi32, #tpu.memory_space<vmem>> -> memref<1x128xi32, #tpu.memory_space<vmem>>
      %dma_wait3A_242 = tpu.memref_squeeze %dma_wait3A_241 : memref<1x128xi32, #tpu.memory_space<vmem>> -> memref<128xi32, #tpu.memory_space<vmem>>
      %dma_wait3A_243 = arith.constant 0 : i32
      %dma_wait3A_244 = arith.constant 0 : i32
      %dma_wait3A_245 = tpu.memref_slice %arg20[%dma_wait3A_243, %dma_wait3A_244] : memref<10240x32xf32, #tpu.memory_space<vmem_shared>> -> memref<10240x32xf32, #tpu.memory_space<vmem_shared>>
      tpu.wait_indirect_dma semaphore(%arg18 : memref<!tpu.dma_semaphore, #tpu.memory_space<semaphore_mem>>) src(%arg8 : memref<128x32xf32, #tpu.memory_space<vmem>>) dst(%dma_wait3A_245 : memref<10240x32xf32, #tpu.memory_space<vmem_shared>>)
      %mul3A_246 = arith.constant 4 : i32
      %mul3A_247 = arith.muli %mul3A_69, %mul3A_246 : i32
      %add3A_248 = arith.constant 1 : i32
      %add3A_249 = arith.addi %mul3A_247, %add3A_248 : i32
      %dma_wait3A_250 = arith.constant 0 : i32
      %dma_wait3A_251 = tpu.memref_slice %arg7[%add3A_249, %dma_wait3A_250] : memref<80x128xi32, #tpu.memory_space<vmem>> -> memref<1x128xi32, #tpu.memory_space<vmem>>
      %dma_wait3A_252 = tpu.memref_squeeze %dma_wait3A_251 : memref<1x128xi32, #tpu.memory_space<vmem>> -> memref<128xi32, #tpu.memory_space<vmem>>
      %dma_wait3A_253 = arith.constant 0 : i32
      %dma_wait3A_254 = arith.constant 0 : i32
      %dma_wait3A_255 = tpu.memref_slice %arg20[%dma_wait3A_253, %dma_wait3A_254] : memref<10240x32xf32, #tpu.memory_space<vmem_shared>> -> memref<10240x32xf32, #tpu.memory_space<vmem_shared>>
      tpu.wait_indirect_dma semaphore(%arg18 : memref<!tpu.dma_semaphore, #tpu.memory_space<semaphore_mem>>) src(%arg9 : memref<128x32xf32, #tpu.memory_space<vmem>>) dst(%dma_wait3A_255 : memref<10240x32xf32, #tpu.memory_space<vmem_shared>>)
      %mul3A_256 = arith.constant 4 : i32
      %mul3A_257 = arith.muli %mul3A_69, %mul3A_256 : i32
      %add3A_258 = arith.constant 2 : i32
      %add3A_259 = arith.addi %mul3A_257, %add3A_258 : i32
      %dma_wait3A_260 = arith.constant 0 : i32
      %dma_wait3A_261 = tpu.memref_slice %arg7[%add3A_259, %dma_wait3A_260] : memref<80x128xi32, #tpu.memory_space<vmem>> -> memref<1x128xi32, #tpu.memory_space<vmem>>
      %dma_wait3A_262 = tpu.memref_squeeze %dma_wait3A_261 : memref<1x128xi32, #tpu.memory_space<vmem>> -> memref<128xi32, #tpu.memory_space<vmem>>
      %dma_wait3A_263 = arith.constant 0 : i32
      %dma_wait3A_264 = arith.constant 0 : i32
      %dma_wait3A_265 = tpu.memref_slice %arg20[%dma_wait3A_263, %dma_wait3A_264] : memref<10240x32xf32, #tpu.memory_space<vmem_shared>> -> memref<10240x32xf32, #tpu.memory_space<vmem_shared>>
      tpu.wait_indirect_dma semaphore(%arg18 : memref<!tpu.dma_semaphore, #tpu.memory_space<semaphore_mem>>) src(%arg10 : memref<128x32xf32, #tpu.memory_space<vmem>>) dst(%dma_wait3A_265 : memref<10240x32xf32, #tpu.memory_space<vmem_shared>>)
      %mul3A_266 = arith.constant 4 : i32
      %mul3A_267 = arith.muli %mul3A_69, %mul3A_266 : i32
      %add3A_268 = arith.constant 3 : i32
      %add3A_269 = arith.addi %mul3A_267, %add3A_268 : i32
      %dma_wait3A_270 = arith.constant 0 : i32
      %dma_wait3A_271 = tpu.memref_slice %arg7[%add3A_269, %dma_wait3A_270] : memref<80x128xi32, #tpu.memory_space<vmem>> -> memref<1x128xi32, #tpu.memory_space<vmem>>
      %dma_wait3A_272 = tpu.memref_squeeze %dma_wait3A_271 : memref<1x128xi32, #tpu.memory_space<vmem>> -> memref<128xi32, #tpu.memory_space<vmem>>
      %dma_wait3A_273 = arith.constant 0 : i32
      %dma_wait3A_274 = arith.constant 0 : i32
      %dma_wait3A_275 = tpu.memref_slice %arg20[%dma_wait3A_273, %dma_wait3A_274] : memref<10240x32xf32, #tpu.memory_space<vmem_shared>> -> memref<10240x32xf32, #tpu.memory_space<vmem_shared>>
      tpu.wait_indirect_dma semaphore(%arg18 : memref<!tpu.dma_semaphore, #tpu.memory_space<semaphore_mem>>) src(%arg11 : memref<128x32xf32, #tpu.memory_space<vmem>>) dst(%dma_wait3A_275 : memref<10240x32xf32, #tpu.memory_space<vmem_shared>>)
      %add3A_276 = arith.constant 1 : i32
      %add3A_277 = arith.addi %add3A_73, %add3A_276 : i32
      %lt3A = arith.constant 20 : i32
      %lt3A_278 = arith.cmpi slt, %add3A_277, %lt3A : i32
      %convert_element_type3A_279 = arith.extui %lt3A_278 : i1 to i32
      %cond3A_280 = arith.constant 0 : i32
      %cond3A_281 = arith.cmpi ne, %convert_element_type3A_279, %cond3A_280 : i32
      scf.if %cond3A_281 {
        %add3A_322 = arith.constant 1 : i32
        %add3A_323 = arith.addi %add3A_73, %add3A_322 : i32
        %mul3A_324 = arith.constant 4 : i32
        %mul3A_325 = arith.muli %add3A_323, %mul3A_324 : i32
        %add3A_326 = arith.constant 0 : i32
        %add3A_327 = arith.addi %mul3A_325, %add3A_326 : i32
        %dma_start3A_328 = arith.constant 0 : i32
        %dma_start3A_329 = tpu.memref_slice %arg6[%add3A_327, %dma_start3A_328] : memref<80x128xi32, #tpu.memory_space<vmem>> -> memref<1x128xi32, #tpu.memory_space<vmem>>
        %dma_start3A_330 = tpu.memref_squeeze %dma_start3A_329 : memref<1x128xi32, #tpu.memory_space<vmem>> -> memref<128xi32, #tpu.memory_space<vmem>>
        %dma_start3A_331 = arith.constant 0 : i32
        %dma_start3A_332 = arith.constant 0 : i32
        %dma_start3A_333 = tpu.memref_slice %arg21[%dma_start3A_331, %dma_start3A_332] : memref<10240x32xf32, #tpu.memory_space<vmem_shared>> -> memref<10240x32xf32, #tpu.memory_space<vmem_shared>>
        tpu.enqueue_indirect_dma source(%dma_start3A_333 : memref<10240x32xf32, #tpu.memory_space<vmem_shared>>) target(%arg8 : memref<128x32xf32, #tpu.memory_space<vmem>>) offsets(%dma_start3A_330 : memref<128xi32, #tpu.memory_space<vmem>>) semaphore(%arg16 : memref<!tpu.dma_semaphore, #tpu.memory_space<semaphore_mem>>)
        %mul3A_334 = arith.constant 4 : i32
        %mul3A_335 = arith.muli %add3A_323, %mul3A_334 : i32
        %add3A_336 = arith.constant 1 : i32
        %add3A_337 = arith.addi %mul3A_335, %add3A_336 : i32
        %dma_start3A_338 = arith.constant 0 : i32
        %dma_start3A_339 = tpu.memref_slice %arg6[%add3A_337, %dma_start3A_338] : memref<80x128xi32, #tpu.memory_space<vmem>> -> memref<1x128xi32, #tpu.memory_space<vmem>>
        %dma_start3A_340 = tpu.memref_squeeze %dma_start3A_339 : memref<1x128xi32, #tpu.memory_space<vmem>> -> memref<128xi32, #tpu.memory_space<vmem>>
        %dma_start3A_341 = arith.constant 0 : i32
        %dma_start3A_342 = arith.constant 0 : i32
        %dma_start3A_343 = tpu.memref_slice %arg21[%dma_start3A_341, %dma_start3A_342] : memref<10240x32xf32, #tpu.memory_space<vmem_shared>> -> memref<10240x32xf32, #tpu.memory_space<vmem_shared>>
        tpu.enqueue_indirect_dma source(%dma_start3A_343 : memref<10240x32xf32, #tpu.memory_space<vmem_shared>>) target(%arg9 : memref<128x32xf32, #tpu.memory_space<vmem>>) offsets(%dma_start3A_340 : memref<128xi32, #tpu.memory_space<vmem>>) semaphore(%arg16 : memref<!tpu.dma_semaphore, #tpu.memory_space<semaphore_mem>>)
        %mul3A_344 = arith.constant 4 : i32
        %mul3A_345 = arith.muli %add3A_323, %mul3A_344 : i32
        %add3A_346 = arith.constant 2 : i32
        %add3A_347 = arith.addi %mul3A_345, %add3A_346 : i32
        %dma_start3A_348 = arith.constant 0 : i32
        %dma_start3A_349 = tpu.memref_slice %arg6[%add3A_347, %dma_start3A_348] : memref<80x128xi32, #tpu.memory_space<vmem>> -> memref<1x128xi32, #tpu.memory_space<vmem>>
        %dma_start3A_350 = tpu.memref_squeeze %dma_start3A_349 : memref<1x128xi32, #tpu.memory_space<vmem>> -> memref<128xi32, #tpu.memory_space<vmem>>
        %dma_start3A_351 = arith.constant 0 : i32
        %dma_start3A_352 = arith.constant 0 : i32
        %dma_start3A_353 = tpu.memref_slice %arg21[%dma_start3A_351, %dma_start3A_352] : memref<10240x32xf32, #tpu.memory_space<vmem_shared>> -> memref<10240x32xf32, #tpu.memory_space<vmem_shared>>
        tpu.enqueue_indirect_dma source(%dma_start3A_353 : memref<10240x32xf32, #tpu.memory_space<vmem_shared>>) target(%arg10 : memref<128x32xf32, #tpu.memory_space<vmem>>) offsets(%dma_start3A_350 : memref<128xi32, #tpu.memory_space<vmem>>) semaphore(%arg16 : memref<!tpu.dma_semaphore, #tpu.memory_space<semaphore_mem>>)
        %mul3A_354 = arith.constant 4 : i32
        %mul3A_355 = arith.muli %add3A_323, %mul3A_354 : i32
        %add3A_356 = arith.constant 3 : i32
        %add3A_357 = arith.addi %mul3A_355, %add3A_356 : i32
        %dma_start3A_358 = arith.constant 0 : i32
        %dma_start3A_359 = tpu.memref_slice %arg6[%add3A_357, %dma_start3A_358] : memref<80x128xi32, #tpu.memory_space<vmem>> -> memref<1x128xi32, #tpu.memory_space<vmem>>
        %dma_start3A_360 = tpu.memref_squeeze %dma_start3A_359 : memref<1x128xi32, #tpu.memory_space<vmem>> -> memref<128xi32, #tpu.memory_space<vmem>>
        %dma_start3A_361 = arith.constant 0 : i32
        %dma_start3A_362 = arith.constant 0 : i32
        %dma_start3A_363 = tpu.memref_slice %arg21[%dma_start3A_361, %dma_start3A_362] : memref<10240x32xf32, #tpu.memory_space<vmem_shared>> -> memref<10240x32xf32, #tpu.memory_space<vmem_shared>>
        tpu.enqueue_indirect_dma source(%dma_start3A_363 : memref<10240x32xf32, #tpu.memory_space<vmem_shared>>) target(%arg11 : memref<128x32xf32, #tpu.memory_space<vmem>>) offsets(%dma_start3A_360 : memref<128xi32, #tpu.memory_space<vmem>>) semaphore(%arg16 : memref<!tpu.dma_semaphore, #tpu.memory_space<semaphore_mem>>)
      } else {
      }
      %mul3A_282 = arith.constant 4 : i32
      %mul3A_283 = arith.muli %add3A_73, %mul3A_282 : i32
      %add3A_284 = arith.constant 0 : i32
      %add3A_285 = arith.addi %mul3A_283, %add3A_284 : i32
      %dma_start3A_286 = arith.constant 0 : i32
      %dma_start3A_287 = tpu.memref_slice %arg7[%add3A_285, %dma_start3A_286] : memref<80x128xi32, #tpu.memory_space<vmem>> -> memref<1x128xi32, #tpu.memory_space<vmem>>
      %dma_start3A_288 = tpu.memref_squeeze %dma_start3A_287 : memref<1x128xi32, #tpu.memory_space<vmem>> -> memref<128xi32, #tpu.memory_space<vmem>>
      %dma_start3A_289 = arith.constant 0 : i32
      %dma_start3A_290 = arith.constant 0 : i32
      %dma_start3A_291 = tpu.memref_slice %arg20[%dma_start3A_289, %dma_start3A_290] : memref<10240x32xf32, #tpu.memory_space<vmem_shared>> -> memref<10240x32xf32, #tpu.memory_space<vmem_shared>>
      tpu.enqueue_indirect_dma source(%arg12 : memref<128x32xf32, #tpu.memory_space<vmem>>) target(%dma_start3A_291 : memref<10240x32xf32, #tpu.memory_space<vmem_shared>>) offsets(%dma_start3A_288 : memref<128xi32, #tpu.memory_space<vmem>>) semaphore(%arg19 : memref<!tpu.dma_semaphore, #tpu.memory_space<semaphore_mem>>) {add = true}
      %mul3A_292 = arith.constant 4 : i32
      %mul3A_293 = arith.muli %add3A_73, %mul3A_292 : i32
      %add3A_294 = arith.constant 1 : i32
      %add3A_295 = arith.addi %mul3A_293, %add3A_294 : i32
      %dma_start3A_296 = arith.constant 0 : i32
      %dma_start3A_297 = tpu.memref_slice %arg7[%add3A_295, %dma_start3A_296] : memref<80x128xi32, #tpu.memory_space<vmem>> -> memref<1x128xi32, #tpu.memory_space<vmem>>
      %dma_start3A_298 = tpu.memref_squeeze %dma_start3A_297 : memref<1x128xi32, #tpu.memory_space<vmem>> -> memref<128xi32, #tpu.memory_space<vmem>>
      %dma_start3A_299 = arith.constant 0 : i32
      %dma_start3A_300 = arith.constant 0 : i32
      %dma_start3A_301 = tpu.memref_slice %arg20[%dma_start3A_299, %dma_start3A_300] : memref<10240x32xf32, #tpu.memory_space<vmem_shared>> -> memref<10240x32xf32, #tpu.memory_space<vmem_shared>>
      tpu.enqueue_indirect_dma source(%arg13 : memref<128x32xf32, #tpu.memory_space<vmem>>) target(%dma_start3A_301 : memref<10240x32xf32, #tpu.memory_space<vmem_shared>>) offsets(%dma_start3A_298 : memref<128xi32, #tpu.memory_space<vmem>>) semaphore(%arg19 : memref<!tpu.dma_semaphore, #tpu.memory_space<semaphore_mem>>) {add = true}
      %mul3A_302 = arith.constant 4 : i32
      %mul3A_303 = arith.muli %add3A_73, %mul3A_302 : i32
      %add3A_304 = arith.constant 2 : i32
      %add3A_305 = arith.addi %mul3A_303, %add3A_304 : i32
      %dma_start3A_306 = arith.constant 0 : i32
      %dma_start3A_307 = tpu.memref_slice %arg7[%add3A_305, %dma_start3A_306] : memref<80x128xi32, #tpu.memory_space<vmem>> -> memref<1x128xi32, #tpu.memory_space<vmem>>
      %dma_start3A_308 = tpu.memref_squeeze %dma_start3A_307 : memref<1x128xi32, #tpu.memory_space<vmem>> -> memref<128xi32, #tpu.memory_space<vmem>>
      %dma_start3A_309 = arith.constant 0 : i32
      %dma_start3A_310 = arith.constant 0 : i32
      %dma_start3A_311 = tpu.memref_slice %arg20[%dma_start3A_309, %dma_start3A_310] : memref<10240x32xf32, #tpu.memory_space<vmem_shared>> -> memref<10240x32xf32, #tpu.memory_space<vmem_shared>>
      tpu.enqueue_indirect_dma source(%arg14 : memref<128x32xf32, #tpu.memory_space<vmem>>) target(%dma_start3A_311 : memref<10240x32xf32, #tpu.memory_space<vmem_shared>>) offsets(%dma_start3A_308 : memref<128xi32, #tpu.memory_space<vmem>>) semaphore(%arg19 : memref<!tpu.dma_semaphore, #tpu.memory_space<semaphore_mem>>) {add = true}
      %mul3A_312 = arith.constant 4 : i32
      %mul3A_313 = arith.muli %add3A_73, %mul3A_312 : i32
      %add3A_314 = arith.constant 3 : i32
      %add3A_315 = arith.addi %mul3A_313, %add3A_314 : i32
      %dma_start3A_316 = arith.constant 0 : i32
      %dma_start3A_317 = tpu.memref_slice %arg7[%add3A_315, %dma_start3A_316] : memref<80x128xi32, #tpu.memory_space<vmem>> -> memref<1x128xi32, #tpu.memory_space<vmem>>
      %dma_start3A_318 = tpu.memref_squeeze %dma_start3A_317 : memref<1x128xi32, #tpu.memory_space<vmem>> -> memref<128xi32, #tpu.memory_space<vmem>>
      %dma_start3A_319 = arith.constant 0 : i32
      %dma_start3A_320 = arith.constant 0 : i32
      %dma_start3A_321 = tpu.memref_slice %arg20[%dma_start3A_319, %dma_start3A_320] : memref<10240x32xf32, #tpu.memory_space<vmem_shared>> -> memref<10240x32xf32, #tpu.memory_space<vmem_shared>>
      tpu.enqueue_indirect_dma source(%arg15 : memref<128x32xf32, #tpu.memory_space<vmem>>) target(%dma_start3A_321 : memref<10240x32xf32, #tpu.memory_space<vmem_shared>>) offsets(%dma_start3A_318 : memref<128xi32, #tpu.memory_space<vmem>>) semaphore(%arg19 : memref<!tpu.dma_semaphore, #tpu.memory_space<semaphore_mem>>) {add = true}
    }
    %scan3A_38 = arith.constant 10 : i32
    %dma_wait3A = arith.constant 76 : i32
    %dma_wait3A_39 = arith.constant 0 : i32
    %dma_wait3A_40 = tpu.memref_slice %arg7[%dma_wait3A, %dma_wait3A_39] : memref<80x128xi32, #tpu.memory_space<vmem>> -> memref<1x128xi32, #tpu.memory_space<vmem>>
    %dma_wait3A_41 = tpu.memref_squeeze %dma_wait3A_40 : memref<1x128xi32, #tpu.memory_space<vmem>> -> memref<128xi32, #tpu.memory_space<vmem>>
    %dma_wait3A_42 = arith.constant 0 : i32
    %dma_wait3A_43 = arith.constant 0 : i32
    %dma_wait3A_44 = tpu.memref_slice %arg20[%dma_wait3A_42, %dma_wait3A_43] : memref<10240x32xf32, #tpu.memory_space<vmem_shared>> -> memref<10240x32xf32, #tpu.memory_space<vmem_shared>>
    tpu.wait_indirect_dma semaphore(%arg19 : memref<!tpu.dma_semaphore, #tpu.memory_space<semaphore_mem>>) src(%arg12 : memref<128x32xf32, #tpu.memory_space<vmem>>) dst(%dma_wait3A_44 : memref<10240x32xf32, #tpu.memory_space<vmem_shared>>)
    %dma_wait3A_45 = arith.constant 77 : i32
    %dma_wait3A_46 = arith.constant 0 : i32
    %dma_wait3A_47 = tpu.memref_slice %arg7[%dma_wait3A_45, %dma_wait3A_46] : memref<80x128xi32, #tpu.memory_space<vmem>> -> memref<1x128xi32, #tpu.memory_space<vmem>>
    %dma_wait3A_48 = tpu.memref_squeeze %dma_wait3A_47 : memref<1x128xi32, #tpu.memory_space<vmem>> -> memref<128xi32, #tpu.memory_space<vmem>>
    %dma_wait3A_49 = arith.constant 0 : i32
    %dma_wait3A_50 = arith.constant 0 : i32
    %dma_wait3A_51 = tpu.memref_slice %arg20[%dma_wait3A_49, %dma_wait3A_50] : memref<10240x32xf32, #tpu.memory_space<vmem_shared>> -> memref<10240x32xf32, #tpu.memory_space<vmem_shared>>
    tpu.wait_indirect_dma semaphore(%arg19 : memref<!tpu.dma_semaphore, #tpu.memory_space<semaphore_mem>>) src(%arg13 : memref<128x32xf32, #tpu.memory_space<vmem>>) dst(%dma_wait3A_51 : memref<10240x32xf32, #tpu.memory_space<vmem_shared>>)
    %dma_wait3A_52 = arith.constant 78 : i32
    %dma_wait3A_53 = arith.constant 0 : i32
    %dma_wait3A_54 = tpu.memref_slice %arg7[%dma_wait3A_52, %dma_wait3A_53] : memref<80x128xi32, #tpu.memory_space<vmem>> -> memref<1x128xi32, #tpu.memory_space<vmem>>
    %dma_wait3A_55 = tpu.memref_squeeze %dma_wait3A_54 : memref<1x128xi32, #tpu.memory_space<vmem>> -> memref<128xi32, #tpu.memory_space<vmem>>
    %dma_wait3A_56 = arith.constant 0 : i32
    %dma_wait3A_57 = arith.constant 0 : i32
    %dma_wait3A_58 = tpu.memref_slice %arg20[%dma_wait3A_56, %dma_wait3A_57] : memref<10240x32xf32, #tpu.memory_space<vmem_shared>> -> memref<10240x32xf32, #tpu.memory_space<vmem_shared>>
    tpu.wait_indirect_dma semaphore(%arg19 : memref<!tpu.dma_semaphore, #tpu.memory_space<semaphore_mem>>) src(%arg14 : memref<128x32xf32, #tpu.memory_space<vmem>>) dst(%dma_wait3A_58 : memref<10240x32xf32, #tpu.memory_space<vmem_shared>>)
    %dma_wait3A_59 = arith.constant 79 : i32
    %dma_wait3A_60 = arith.constant 0 : i32
    %dma_wait3A_61 = tpu.memref_slice %arg7[%dma_wait3A_59, %dma_wait3A_60] : memref<80x128xi32, #tpu.memory_space<vmem>> -> memref<1x128xi32, #tpu.memory_space<vmem>>
    %dma_wait3A_62 = tpu.memref_squeeze %dma_wait3A_61 : memref<1x128xi32, #tpu.memory_space<vmem>> -> memref<128xi32, #tpu.memory_space<vmem>>
    %dma_wait3A_63 = arith.constant 0 : i32
    %dma_wait3A_64 = arith.constant 0 : i32
    %dma_wait3A_65 = tpu.memref_slice %arg20[%dma_wait3A_63, %dma_wait3A_64] : memref<10240x32xf32, #tpu.memory_space<vmem_shared>> -> memref<10240x32xf32, #tpu.memory_space<vmem_shared>>
    tpu.wait_indirect_dma semaphore(%arg19 : memref<!tpu.dma_semaphore, #tpu.memory_space<semaphore_mem>>) src(%arg15 : memref<128x32xf32, #tpu.memory_space<vmem>>) dst(%dma_wait3A_65 : memref<10240x32xf32, #tpu.memory_space<vmem_shared>>)
    %barrier3A_66 = arith.constant 0 : index
    tpu.barrier barrier_id(%barrier3A_66)
    "tpu.region"() ({
      %run_scoped3A = tpu.sem_alloc : memref<!tpu.dma_semaphore, #tpu.memory_space<semaphore_mem>>
      %dma_start3A_67 = arith.constant 0 : i32
      %dma_start3A_68 = tpu.memref_slice %arg5[%arg0, %mul3A_6, %dma_start3A_67] : memref<2x10240x32xf32, #tpu.memory_space<hbm>> -> memref<1x640x32xf32, #tpu.memory_space<hbm>>
      %dma_start3A_69 = tpu.memref_squeeze %dma_start3A_68 : memref<1x640x32xf32, #tpu.memory_space<hbm>> -> memref<640x32xf32, #tpu.memory_space<hbm>>
      %dma_start3A_70 = arith.constant 0 : i32
      %dma_start3A_71 = tpu.memref_slice %arg20[%mul3A_6, %dma_start3A_70] : memref<10240x32xf32, #tpu.memory_space<vmem_shared>> -> memref<640x32xf32, #tpu.memory_space<vmem_shared>>
      tpu.enqueue_dma source(%dma_start3A_71 : memref<640x32xf32, #tpu.memory_space<vmem_shared>>) target(%dma_start3A_69 : memref<640x32xf32, #tpu.memory_space<hbm>>) target_semaphore(%run_scoped3A : memref<!tpu.dma_semaphore, #tpu.memory_space<semaphore_mem>>)
      %dma_wait3A_72 = arith.constant 0 : i32
      %dma_wait3A_73 = tpu.memref_slice %arg5[%arg0, %mul3A_6, %dma_wait3A_72] : memref<2x10240x32xf32, #tpu.memory_space<hbm>> -> memref<1x640x32xf32, #tpu.memory_space<hbm>>
      %dma_wait3A_74 = tpu.memref_squeeze %dma_wait3A_73 : memref<1x640x32xf32, #tpu.memory_space<hbm>> -> memref<640x32xf32, #tpu.memory_space<hbm>>
      %dma_wait3A_75 = arith.constant 0 : i32
      %dma_wait3A_76 = tpu.memref_slice %arg20[%mul3A_6, %dma_wait3A_75] : memref<10240x32xf32, #tpu.memory_space<vmem_shared>> -> memref<640x32xf32, #tpu.memory_space<vmem_shared>>
      tpu.wait_dma2 semaphore(%run_scoped3A : memref<!tpu.dma_semaphore, #tpu.memory_space<semaphore_mem>>) src(%dma_wait3A_76 : memref<640x32xf32, #tpu.memory_space<vmem_shared>>) dst(%dma_wait3A_74 : memref<640x32xf32, #tpu.memory_space<hbm>>)
      tpu.yield
    }) : () -> ()
    return
  }
}

#map = affine_map<(d0, d1) -> (0, 0)>
#map1 = affine_map<(d0, d1) -> (0, 0, 0)>
module attributes {stable_mosaic.version = 14 : i64} {
  func.func @agg(%arg0: i32, %arg1: i32, %arg2: memref<10240x64xf32, #tpu.memory_space<hbm>>, %arg3: memref<2560x128xi32, #tpu.memory_space<hbm>>, %arg4: memref<2560x128xi32, #tpu.memory_space<hbm>>, %arg5: memref<2x10240x64xf32, #tpu.memory_space<hbm>>, %arg6: memref<80x128xi32, #tpu.memory_space<vmem>>, %arg7: memref<80x128xi32, #tpu.memory_space<vmem>>, %arg8: memref<128x64xf32, #tpu.memory_space<vmem>>, %arg9: memref<128x64xf32, #tpu.memory_space<vmem>>, %arg10: memref<128x64xf32, #tpu.memory_space<vmem>>, %arg11: memref<128x64xf32, #tpu.memory_space<vmem>>, %arg12: memref<128x64xf32, #tpu.memory_space<vmem>>, %arg13: memref<128x64xf32, #tpu.memory_space<vmem>>, %arg14: memref<128x64xf32, #tpu.memory_space<vmem>>, %arg15: memref<128x64xf32, #tpu.memory_space<vmem>>, %arg16: memref<!tpu.dma_semaphore, #tpu.memory_space<semaphore_mem>>, %arg17: memref<!tpu.dma_semaphore, #tpu.memory_space<semaphore_mem>>, %arg18: memref<!tpu.dma_semaphore, #tpu.memory_space<semaphore_mem>>, %arg19: memref<!tpu.dma_semaphore, #tpu.memory_space<semaphore_mem>>, %arg20: memref<10240x64xf32, #tpu.memory_space<vmem_shared>>, %arg21: memref<10240x64xf32, #tpu.memory_space<vmem_shared>>) attributes {dimension_semantics = [#tpu.dimension_semantics<core_parallel>, #tpu.dimension_semantics<subcore_parallel>], iteration_bounds = array<i64: 2, 16>, scalar_prefetch = 0 : i64, scratch_operands = 16 : i64, tpu.core_type = #tpu.core_type<sc_vector_subcore>, window_params = [{transform_indices = #map}, {transform_indices = #map}, {transform_indices = #map}, {transform_indices = #map1}]} {
    %mul3A = arith.constant 16 : i32
    %mul3A_0 = arith.muli %arg0, %mul3A : i32
    %add3A = arith.addi %mul3A_0, %arg1 : i32
    %mul3A_1 = arith.constant 80 : i32
    %mul3A_2 = arith.muli %add3A, %mul3A_1 : i32
    "tpu.region"() ({
      %run_scoped3A = tpu.sem_alloc : memref<!tpu.dma_semaphore, #tpu.memory_space<semaphore_mem>>
      %dma_start3A_26 = arith.constant 0 : i32
      %dma_start3A_27 = tpu.memref_slice %arg3[%mul3A_2, %dma_start3A_26] : memref<2560x128xi32, #tpu.memory_space<hbm>> -> memref<80x128xi32, #tpu.memory_space<hbm>>
      %dma_start3A_28 = arith.constant 0 : i32
      %dma_start3A_29 = tpu.memref_slice %arg3[%mul3A_2, %dma_start3A_28] : memref<2560x128xi32, #tpu.memory_space<hbm>> -> memref<80x128xi32, #tpu.memory_space<hbm>>
      tpu.enqueue_dma source(%dma_start3A_29 : memref<80x128xi32, #tpu.memory_space<hbm>>) target(%arg6 : memref<80x128xi32, #tpu.memory_space<vmem>>) target_semaphore(%run_scoped3A : memref<!tpu.dma_semaphore, #tpu.memory_space<semaphore_mem>>)
      %dma_wait3A = arith.constant 0 : i32
      %dma_wait3A_30 = tpu.memref_slice %arg3[%mul3A_2, %dma_wait3A] : memref<2560x128xi32, #tpu.memory_space<hbm>> -> memref<80x128xi32, #tpu.memory_space<hbm>>
      %dma_wait3A_31 = arith.constant 0 : i32
      %dma_wait3A_32 = tpu.memref_slice %arg3[%mul3A_2, %dma_wait3A_31] : memref<2560x128xi32, #tpu.memory_space<hbm>> -> memref<80x128xi32, #tpu.memory_space<hbm>>
      tpu.wait_dma2 semaphore(%run_scoped3A : memref<!tpu.dma_semaphore, #tpu.memory_space<semaphore_mem>>) src(%dma_wait3A_32 : memref<80x128xi32, #tpu.memory_space<hbm>>) dst(%arg6 : memref<80x128xi32, #tpu.memory_space<vmem>>)
      tpu.yield
    }) : () -> ()
    %mul3A_3 = arith.constant 80 : i32
    %mul3A_4 = arith.muli %add3A, %mul3A_3 : i32
    "tpu.region"() ({
      %run_scoped3A = tpu.sem_alloc : memref<!tpu.dma_semaphore, #tpu.memory_space<semaphore_mem>>
      %dma_start3A_26 = arith.constant 0 : i32
      %dma_start3A_27 = tpu.memref_slice %arg4[%mul3A_4, %dma_start3A_26] : memref<2560x128xi32, #tpu.memory_space<hbm>> -> memref<80x128xi32, #tpu.memory_space<hbm>>
      %dma_start3A_28 = arith.constant 0 : i32
      %dma_start3A_29 = tpu.memref_slice %arg4[%mul3A_4, %dma_start3A_28] : memref<2560x128xi32, #tpu.memory_space<hbm>> -> memref<80x128xi32, #tpu.memory_space<hbm>>
      tpu.enqueue_dma source(%dma_start3A_29 : memref<80x128xi32, #tpu.memory_space<hbm>>) target(%arg7 : memref<80x128xi32, #tpu.memory_space<vmem>>) target_semaphore(%run_scoped3A : memref<!tpu.dma_semaphore, #tpu.memory_space<semaphore_mem>>)
      %dma_wait3A = arith.constant 0 : i32
      %dma_wait3A_30 = tpu.memref_slice %arg4[%mul3A_4, %dma_wait3A] : memref<2560x128xi32, #tpu.memory_space<hbm>> -> memref<80x128xi32, #tpu.memory_space<hbm>>
      %dma_wait3A_31 = arith.constant 0 : i32
      %dma_wait3A_32 = tpu.memref_slice %arg4[%mul3A_4, %dma_wait3A_31] : memref<2560x128xi32, #tpu.memory_space<hbm>> -> memref<80x128xi32, #tpu.memory_space<hbm>>
      tpu.wait_dma2 semaphore(%run_scoped3A : memref<!tpu.dma_semaphore, #tpu.memory_space<semaphore_mem>>) src(%dma_wait3A_32 : memref<80x128xi32, #tpu.memory_space<hbm>>) dst(%arg7 : memref<80x128xi32, #tpu.memory_space<vmem>>)
      tpu.yield
    }) : () -> ()
    %mul3A_5 = arith.constant 640 : i32
    %mul3A_6 = arith.muli %arg1, %mul3A_5 : i32
    "tpu.region"() ({
      %run_scoped3A = tpu.sem_alloc : memref<!tpu.dma_semaphore, #tpu.memory_space<semaphore_mem>>
      %dma_start3A_26 = arith.constant 0 : i32
      %dma_start3A_27 = tpu.memref_slice %arg21[%mul3A_6, %dma_start3A_26] : memref<10240x64xf32, #tpu.memory_space<vmem_shared>> -> memref<640x64xf32, #tpu.memory_space<vmem_shared>>
      %dma_start3A_28 = arith.constant 0 : i32
      %dma_start3A_29 = tpu.memref_slice %arg2[%mul3A_6, %dma_start3A_28] : memref<10240x64xf32, #tpu.memory_space<hbm>> -> memref<640x64xf32, #tpu.memory_space<hbm>>
      tpu.enqueue_dma source(%dma_start3A_29 : memref<640x64xf32, #tpu.memory_space<hbm>>) target(%dma_start3A_27 : memref<640x64xf32, #tpu.memory_space<vmem_shared>>) target_semaphore(%run_scoped3A : memref<!tpu.dma_semaphore, #tpu.memory_space<semaphore_mem>>)
      %dma_wait3A = arith.constant 0 : i32
      %dma_wait3A_30 = tpu.memref_slice %arg21[%mul3A_6, %dma_wait3A] : memref<10240x64xf32, #tpu.memory_space<vmem_shared>> -> memref<640x64xf32, #tpu.memory_space<vmem_shared>>
      %dma_wait3A_31 = arith.constant 0 : i32
      %dma_wait3A_32 = tpu.memref_slice %arg2[%mul3A_6, %dma_wait3A_31] : memref<10240x64xf32, #tpu.memory_space<hbm>> -> memref<640x64xf32, #tpu.memory_space<hbm>>
      tpu.wait_dma2 semaphore(%run_scoped3A : memref<!tpu.dma_semaphore, #tpu.memory_space<semaphore_mem>>) src(%dma_wait3A_32 : memref<640x64xf32, #tpu.memory_space<hbm>>) dst(%dma_wait3A_30 : memref<640x64xf32, #tpu.memory_space<vmem_shared>>)
      tpu.yield
    }) : () -> ()
    "tpu.region"() ({
      %run_scoped3A = tpu.sem_alloc : memref<!tpu.dma_semaphore, #tpu.memory_space<semaphore_mem>>
      %dma_start3A_26 = arith.constant 0 : i32
      %dma_start3A_27 = tpu.memref_slice %arg20[%mul3A_6, %dma_start3A_26] : memref<10240x64xf32, #tpu.memory_space<vmem_shared>> -> memref<640x64xf32, #tpu.memory_space<vmem_shared>>
      %dma_start3A_28 = arith.constant 0 : i32
      %dma_start3A_29 = tpu.memref_slice %arg2[%mul3A_6, %dma_start3A_28] : memref<10240x64xf32, #tpu.memory_space<hbm>> -> memref<640x64xf32, #tpu.memory_space<hbm>>
      tpu.enqueue_dma source(%dma_start3A_29 : memref<640x64xf32, #tpu.memory_space<hbm>>) target(%dma_start3A_27 : memref<640x64xf32, #tpu.memory_space<vmem_shared>>) target_semaphore(%run_scoped3A : memref<!tpu.dma_semaphore, #tpu.memory_space<semaphore_mem>>)
      %dma_wait3A = arith.constant 0 : i32
      %dma_wait3A_30 = tpu.memref_slice %arg20[%mul3A_6, %dma_wait3A] : memref<10240x64xf32, #tpu.memory_space<vmem_shared>> -> memref<640x64xf32, #tpu.memory_space<vmem_shared>>
      %dma_wait3A_31 = arith.constant 0 : i32
      %dma_wait3A_32 = tpu.memref_slice %arg2[%mul3A_6, %dma_wait3A_31] : memref<10240x64xf32, #tpu.memory_space<hbm>> -> memref<640x64xf32, #tpu.memory_space<hbm>>
      tpu.wait_dma2 semaphore(%run_scoped3A : memref<!tpu.dma_semaphore, #tpu.memory_space<semaphore_mem>>) src(%dma_wait3A_32 : memref<640x64xf32, #tpu.memory_space<hbm>>) dst(%dma_wait3A_30 : memref<640x64xf32, #tpu.memory_space<vmem_shared>>)
      tpu.yield
    }) : () -> ()
    %barrier3A = arith.constant 0 : index
    tpu.barrier barrier_id(%barrier3A)
    %dma_start3A = arith.constant 0 : i32
    %dma_start3A_7 = arith.constant 0 : i32
    %dma_start3A_8 = tpu.memref_slice %arg6[%dma_start3A, %dma_start3A_7] : memref<80x128xi32, #tpu.memory_space<vmem>> -> memref<1x128xi32, #tpu.memory_space<vmem>>
    %dma_start3A_9 = tpu.memref_squeeze %dma_start3A_8 : memref<1x128xi32, #tpu.memory_space<vmem>> -> memref<128xi32, #tpu.memory_space<vmem>>
    %dma_start3A_10 = arith.constant 0 : i32
    %dma_start3A_11 = arith.constant 0 : i32
    %dma_start3A_12 = tpu.memref_slice %arg21[%dma_start3A_10, %dma_start3A_11] : memref<10240x64xf32, #tpu.memory_space<vmem_shared>> -> memref<10240x64xf32, #tpu.memory_space<vmem_shared>>
    tpu.enqueue_indirect_dma source(%dma_start3A_12 : memref<10240x64xf32, #tpu.memory_space<vmem_shared>>) target(%arg8 : memref<128x64xf32, #tpu.memory_space<vmem>>) offsets(%dma_start3A_9 : memref<128xi32, #tpu.memory_space<vmem>>) semaphore(%arg16 : memref<!tpu.dma_semaphore, #tpu.memory_space<semaphore_mem>>)
    %dma_start3A_13 = arith.constant 1 : i32
    %dma_start3A_14 = arith.constant 0 : i32
    %dma_start3A_15 = tpu.memref_slice %arg6[%dma_start3A_13, %dma_start3A_14] : memref<80x128xi32, #tpu.memory_space<vmem>> -> memref<1x128xi32, #tpu.memory_space<vmem>>
    %dma_start3A_16 = tpu.memref_squeeze %dma_start3A_15 : memref<1x128xi32, #tpu.memory_space<vmem>> -> memref<128xi32, #tpu.memory_space<vmem>>
    %dma_start3A_17 = arith.constant 0 : i32
    %dma_start3A_18 = arith.constant 0 : i32
    %dma_start3A_19 = tpu.memref_slice %arg21[%dma_start3A_17, %dma_start3A_18] : memref<10240x64xf32, #tpu.memory_space<vmem_shared>> -> memref<10240x64xf32, #tpu.memory_space<vmem_shared>>
    tpu.enqueue_indirect_dma source(%dma_start3A_19 : memref<10240x64xf32, #tpu.memory_space<vmem_shared>>) target(%arg12 : memref<128x64xf32, #tpu.memory_space<vmem>>) offsets(%dma_start3A_16 : memref<128xi32, #tpu.memory_space<vmem>>) semaphore(%arg17 : memref<!tpu.dma_semaphore, #tpu.memory_space<semaphore_mem>>)
    %scan3A = arith.constant 0 : i32
    %scan3A_20 = arith.constant 0 : i32
    %scan3A_21 = arith.constant 40 : i32
    %scan3A_22 = arith.addi %scan3A_20, %scan3A_21 : i32
    %scan3A_23 = arith.constant 1 : i32
    scf.for %scan3A_26 = %scan3A_20 to %scan3A_22 step %scan3A_23  : i32 {
      %mul3A_27 = arith.constant 2 : i32
      %mul3A_28 = arith.muli %mul3A_27, %scan3A_26 : i32
      %dma_wait3A = arith.constant 0 : i32
      %dma_wait3A_29 = tpu.memref_slice %arg6[%mul3A_28, %dma_wait3A] : memref<80x128xi32, #tpu.memory_space<vmem>> -> memref<1x128xi32, #tpu.memory_space<vmem>>
      %dma_wait3A_30 = tpu.memref_squeeze %dma_wait3A_29 : memref<1x128xi32, #tpu.memory_space<vmem>> -> memref<128xi32, #tpu.memory_space<vmem>>
      %dma_wait3A_31 = arith.constant 0 : i32
      %dma_wait3A_32 = arith.constant 0 : i32
      %dma_wait3A_33 = tpu.memref_slice %arg21[%dma_wait3A_31, %dma_wait3A_32] : memref<10240x64xf32, #tpu.memory_space<vmem_shared>> -> memref<10240x64xf32, #tpu.memory_space<vmem_shared>>
      tpu.wait_indirect_dma semaphore(%arg16 : memref<!tpu.dma_semaphore, #tpu.memory_space<semaphore_mem>>) src(%dma_wait3A_33 : memref<10240x64xf32, #tpu.memory_space<vmem_shared>>) dst(%arg8 : memref<128x64xf32, #tpu.memory_space<vmem>>)
      "tpu.region"() ({
        %run_scoped3A = tpu.sem_alloc : memref<!tpu.dma_semaphore, #tpu.memory_space<semaphore_mem>>
        %dma_start3A_55 = arith.constant 0 : i32
        %dma_start3A_56 = tpu.memref_slice %arg7[%mul3A_28, %dma_start3A_55] : memref<80x128xi32, #tpu.memory_space<vmem>> -> memref<1x128xi32, #tpu.memory_space<vmem>>
        %dma_start3A_57 = tpu.memref_squeeze %dma_start3A_56 : memref<1x128xi32, #tpu.memory_space<vmem>> -> memref<128xi32, #tpu.memory_space<vmem>>
        %dma_start3A_58 = arith.constant 0 : i32
        %dma_start3A_59 = arith.constant 0 : i32
        %dma_start3A_60 = tpu.memref_slice %arg20[%dma_start3A_58, %dma_start3A_59] : memref<10240x64xf32, #tpu.memory_space<vmem_shared>> -> memref<10240x64xf32, #tpu.memory_space<vmem_shared>>
        tpu.enqueue_indirect_dma source(%arg8 : memref<128x64xf32, #tpu.memory_space<vmem>>) target(%dma_start3A_60 : memref<10240x64xf32, #tpu.memory_space<vmem_shared>>) offsets(%dma_start3A_57 : memref<128xi32, #tpu.memory_space<vmem>>) semaphore(%run_scoped3A : memref<!tpu.dma_semaphore, #tpu.memory_space<semaphore_mem>>) {add = true}
        %dma_wait3A_61 = arith.constant 0 : i32
        %dma_wait3A_62 = tpu.memref_slice %arg7[%mul3A_28, %dma_wait3A_61] : memref<80x128xi32, #tpu.memory_space<vmem>> -> memref<1x128xi32, #tpu.memory_space<vmem>>
        %dma_wait3A_63 = tpu.memref_squeeze %dma_wait3A_62 : memref<1x128xi32, #tpu.memory_space<vmem>> -> memref<128xi32, #tpu.memory_space<vmem>>
        %dma_wait3A_64 = arith.constant 0 : i32
        %dma_wait3A_65 = arith.constant 0 : i32
        %dma_wait3A_66 = tpu.memref_slice %arg20[%dma_wait3A_64, %dma_wait3A_65] : memref<10240x64xf32, #tpu.memory_space<vmem_shared>> -> memref<10240x64xf32, #tpu.memory_space<vmem_shared>>
        tpu.wait_indirect_dma semaphore(%run_scoped3A : memref<!tpu.dma_semaphore, #tpu.memory_space<semaphore_mem>>) src(%arg8 : memref<128x64xf32, #tpu.memory_space<vmem>>) dst(%dma_wait3A_66 : memref<10240x64xf32, #tpu.memory_space<vmem_shared>>)
        tpu.yield
      }) : () -> ()
      %add3A_34 = arith.constant 2 : i32
      %add3A_35 = arith.addi %mul3A_28, %add3A_34 : i32
      %lt3A = arith.constant 80 : i32
      %lt3A_36 = arith.cmpi slt, %add3A_35, %lt3A : i32
      %convert_element_type3A = arith.extui %lt3A_36 : i1 to i32
      %cond3A = arith.constant 0 : i32
      %cond3A_37 = arith.cmpi ne, %convert_element_type3A, %cond3A : i32
      scf.if %cond3A_37 {
        %add3A_55 = arith.constant 2 : i32
        %add3A_56 = arith.addi %mul3A_28, %add3A_55 : i32
        %dma_start3A_57 = arith.constant 0 : i32
        %dma_start3A_58 = tpu.memref_slice %arg6[%add3A_56, %dma_start3A_57] : memref<80x128xi32, #tpu.memory_space<vmem>> -> memref<1x128xi32, #tpu.memory_space<vmem>>
        %dma_start3A_59 = tpu.memref_squeeze %dma_start3A_58 : memref<1x128xi32, #tpu.memory_space<vmem>> -> memref<128xi32, #tpu.memory_space<vmem>>
        %dma_start3A_60 = arith.constant 0 : i32
        %dma_start3A_61 = arith.constant 0 : i32
        %dma_start3A_62 = tpu.memref_slice %arg21[%dma_start3A_60, %dma_start3A_61] : memref<10240x64xf32, #tpu.memory_space<vmem_shared>> -> memref<10240x64xf32, #tpu.memory_space<vmem_shared>>
        tpu.enqueue_indirect_dma source(%dma_start3A_62 : memref<10240x64xf32, #tpu.memory_space<vmem_shared>>) target(%arg8 : memref<128x64xf32, #tpu.memory_space<vmem>>) offsets(%dma_start3A_59 : memref<128xi32, #tpu.memory_space<vmem>>) semaphore(%arg16 : memref<!tpu.dma_semaphore, #tpu.memory_space<semaphore_mem>>)
      } else {
      }
      %mul3A_38 = arith.constant 2 : i32
      %mul3A_39 = arith.muli %mul3A_38, %scan3A_26 : i32
      %add3A_40 = arith.constant 1 : i32
      %add3A_41 = arith.addi %mul3A_39, %add3A_40 : i32
      %dma_wait3A_42 = arith.constant 0 : i32
      %dma_wait3A_43 = tpu.memref_slice %arg6[%add3A_41, %dma_wait3A_42] : memref<80x128xi32, #tpu.memory_space<vmem>> -> memref<1x128xi32, #tpu.memory_space<vmem>>
      %dma_wait3A_44 = tpu.memref_squeeze %dma_wait3A_43 : memref<1x128xi32, #tpu.memory_space<vmem>> -> memref<128xi32, #tpu.memory_space<vmem>>
      %dma_wait3A_45 = arith.constant 0 : i32
      %dma_wait3A_46 = arith.constant 0 : i32
      %dma_wait3A_47 = tpu.memref_slice %arg21[%dma_wait3A_45, %dma_wait3A_46] : memref<10240x64xf32, #tpu.memory_space<vmem_shared>> -> memref<10240x64xf32, #tpu.memory_space<vmem_shared>>
      tpu.wait_indirect_dma semaphore(%arg17 : memref<!tpu.dma_semaphore, #tpu.memory_space<semaphore_mem>>) src(%dma_wait3A_47 : memref<10240x64xf32, #tpu.memory_space<vmem_shared>>) dst(%arg12 : memref<128x64xf32, #tpu.memory_space<vmem>>)
      "tpu.region"() ({
        %run_scoped3A = tpu.sem_alloc : memref<!tpu.dma_semaphore, #tpu.memory_space<semaphore_mem>>
        %dma_start3A_55 = arith.constant 0 : i32
        %dma_start3A_56 = tpu.memref_slice %arg7[%add3A_41, %dma_start3A_55] : memref<80x128xi32, #tpu.memory_space<vmem>> -> memref<1x128xi32, #tpu.memory_space<vmem>>
        %dma_start3A_57 = tpu.memref_squeeze %dma_start3A_56 : memref<1x128xi32, #tpu.memory_space<vmem>> -> memref<128xi32, #tpu.memory_space<vmem>>
        %dma_start3A_58 = arith.constant 0 : i32
        %dma_start3A_59 = arith.constant 0 : i32
        %dma_start3A_60 = tpu.memref_slice %arg20[%dma_start3A_58, %dma_start3A_59] : memref<10240x64xf32, #tpu.memory_space<vmem_shared>> -> memref<10240x64xf32, #tpu.memory_space<vmem_shared>>
        tpu.enqueue_indirect_dma source(%arg12 : memref<128x64xf32, #tpu.memory_space<vmem>>) target(%dma_start3A_60 : memref<10240x64xf32, #tpu.memory_space<vmem_shared>>) offsets(%dma_start3A_57 : memref<128xi32, #tpu.memory_space<vmem>>) semaphore(%run_scoped3A : memref<!tpu.dma_semaphore, #tpu.memory_space<semaphore_mem>>) {add = true}
        %dma_wait3A_61 = arith.constant 0 : i32
        %dma_wait3A_62 = tpu.memref_slice %arg7[%add3A_41, %dma_wait3A_61] : memref<80x128xi32, #tpu.memory_space<vmem>> -> memref<1x128xi32, #tpu.memory_space<vmem>>
        %dma_wait3A_63 = tpu.memref_squeeze %dma_wait3A_62 : memref<1x128xi32, #tpu.memory_space<vmem>> -> memref<128xi32, #tpu.memory_space<vmem>>
        %dma_wait3A_64 = arith.constant 0 : i32
        %dma_wait3A_65 = arith.constant 0 : i32
        %dma_wait3A_66 = tpu.memref_slice %arg20[%dma_wait3A_64, %dma_wait3A_65] : memref<10240x64xf32, #tpu.memory_space<vmem_shared>> -> memref<10240x64xf32, #tpu.memory_space<vmem_shared>>
        tpu.wait_indirect_dma semaphore(%run_scoped3A : memref<!tpu.dma_semaphore, #tpu.memory_space<semaphore_mem>>) src(%arg12 : memref<128x64xf32, #tpu.memory_space<vmem>>) dst(%dma_wait3A_66 : memref<10240x64xf32, #tpu.memory_space<vmem_shared>>)
        tpu.yield
      }) : () -> ()
      %add3A_48 = arith.constant 2 : i32
      %add3A_49 = arith.addi %add3A_41, %add3A_48 : i32
      %lt3A_50 = arith.constant 80 : i32
      %lt3A_51 = arith.cmpi slt, %add3A_49, %lt3A_50 : i32
      %convert_element_type3A_52 = arith.extui %lt3A_51 : i1 to i32
      %cond3A_53 = arith.constant 0 : i32
      %cond3A_54 = arith.cmpi ne, %convert_element_type3A_52, %cond3A_53 : i32
      scf.if %cond3A_54 {
        %add3A_55 = arith.constant 2 : i32
        %add3A_56 = arith.addi %add3A_41, %add3A_55 : i32
        %dma_start3A_57 = arith.constant 0 : i32
        %dma_start3A_58 = tpu.memref_slice %arg6[%add3A_56, %dma_start3A_57] : memref<80x128xi32, #tpu.memory_space<vmem>> -> memref<1x128xi32, #tpu.memory_space<vmem>>
        %dma_start3A_59 = tpu.memref_squeeze %dma_start3A_58 : memref<1x128xi32, #tpu.memory_space<vmem>> -> memref<128xi32, #tpu.memory_space<vmem>>
        %dma_start3A_60 = arith.constant 0 : i32
        %dma_start3A_61 = arith.constant 0 : i32
        %dma_start3A_62 = tpu.memref_slice %arg21[%dma_start3A_60, %dma_start3A_61] : memref<10240x64xf32, #tpu.memory_space<vmem_shared>> -> memref<10240x64xf32, #tpu.memory_space<vmem_shared>>
        tpu.enqueue_indirect_dma source(%dma_start3A_62 : memref<10240x64xf32, #tpu.memory_space<vmem_shared>>) target(%arg12 : memref<128x64xf32, #tpu.memory_space<vmem>>) offsets(%dma_start3A_59 : memref<128xi32, #tpu.memory_space<vmem>>) semaphore(%arg17 : memref<!tpu.dma_semaphore, #tpu.memory_space<semaphore_mem>>)
      } else {
      }
    }
    %scan3A_24 = arith.constant 40 : i32
    %barrier3A_25 = arith.constant 0 : index
    tpu.barrier barrier_id(%barrier3A_25)
    "tpu.region"() ({
      %run_scoped3A = tpu.sem_alloc : memref<!tpu.dma_semaphore, #tpu.memory_space<semaphore_mem>>
      %dma_start3A_26 = arith.constant 0 : i32
      %dma_start3A_27 = tpu.memref_slice %arg5[%arg0, %mul3A_6, %dma_start3A_26] : memref<2x10240x64xf32, #tpu.memory_space<hbm>> -> memref<1x640x64xf32, #tpu.memory_space<hbm>>
      %dma_start3A_28 = tpu.memref_squeeze %dma_start3A_27 : memref<1x640x64xf32, #tpu.memory_space<hbm>> -> memref<640x64xf32, #tpu.memory_space<hbm>>
      %dma_start3A_29 = arith.constant 0 : i32
      %dma_start3A_30 = tpu.memref_slice %arg20[%mul3A_6, %dma_start3A_29] : memref<10240x64xf32, #tpu.memory_space<vmem_shared>> -> memref<640x64xf32, #tpu.memory_space<vmem_shared>>
      tpu.enqueue_dma source(%dma_start3A_30 : memref<640x64xf32, #tpu.memory_space<vmem_shared>>) target(%dma_start3A_28 : memref<640x64xf32, #tpu.memory_space<hbm>>) target_semaphore(%run_scoped3A : memref<!tpu.dma_semaphore, #tpu.memory_space<semaphore_mem>>)
      %dma_wait3A = arith.constant 0 : i32
      %dma_wait3A_31 = tpu.memref_slice %arg5[%arg0, %mul3A_6, %dma_wait3A] : memref<2x10240x64xf32, #tpu.memory_space<hbm>> -> memref<1x640x64xf32, #tpu.memory_space<hbm>>
      %dma_wait3A_32 = tpu.memref_squeeze %dma_wait3A_31 : memref<1x640x64xf32, #tpu.memory_space<hbm>> -> memref<640x64xf32, #tpu.memory_space<hbm>>
      %dma_wait3A_33 = arith.constant 0 : i32
      %dma_wait3A_34 = tpu.memref_slice %arg20[%mul3A_6, %dma_wait3A_33] : memref<10240x64xf32, #tpu.memory_space<vmem_shared>> -> memref<640x64xf32, #tpu.memory_space<vmem_shared>>
      tpu.wait_dma2 semaphore(%run_scoped3A : memref<!tpu.dma_semaphore, #tpu.memory_space<semaphore_mem>>) src(%dma_wait3A_34 : memref<640x64xf32, #tpu.memory_space<vmem_shared>>) dst(%dma_wait3A_32 : memref<640x64xf32, #tpu.memory_space<hbm>>)
      tpu.yield
    }) : () -> ()
    return
  }
}

module attributes {stable_mosaic.version = 14 : i64} {
  func.func @_mm1_body(%arg0: i32, %arg1: memref<2048x128xf32, #tpu.memory_space<vmem>>, %arg2: memref<128x64xf32, #tpu.memory_space<vmem>>, %arg3: memref<2048x64xf32, #tpu.memory_space<vmem>>) attributes {dimension_semantics = [#tpu.dimension_semantics<arbitrary>], iteration_bounds = array<i64: 5>, scalar_prefetch = 0 : i64, scratch_operands = 0 : i64, tpu.core_type = #tpu.core_type<tc>, window_params = [{transform_indices = @transform_0, window_bounds = array<i64: 2048, 128>}, {pipeline_mode = #tpu.pipeline_mode<synchronous>, transform_indices = @transform_1, window_bounds = array<i64: 128, 64>}, {transform_indices = @transform_2, window_bounds = array<i64: 2048, 64>}]} {
    %get3A = arith.constant 0 : index
    %get3A_0 = arith.constant 0 : index
    %get3A_1 = vector.load %arg1[%get3A, %get3A_0] : memref<2048x128xf32, #tpu.memory_space<vmem>>, vector<2048x128xf32>
    %get3A_2 = arith.constant 0 : index
    %get3A_3 = arith.constant 0 : index
    %get3A_4 = vector.load %arg2[%get3A_2, %get3A_3] : memref<128x64xf32, #tpu.memory_space<vmem>>, vector<128x64xf32>
    %dot_general3A = arith.constant dense<0.000000e+00> : vector<2048x64xf32>
    %dot_general3A_5 = tpu.matmul %get3A_1, %get3A_4, %dot_general3A {dimension_numbers = #tpu.dot_dimension_numbers<[1], [0], [0], [1], [0, 0, 1, 1], [], []>, transpose_lhs_hint = false} : vector<2048x128xf32>, vector<128x64xf32>, vector<2048x64xf32> -> vector<2048x64xf32>
    %swap3A = arith.constant 0 : index
    %swap3A_6 = arith.constant 0 : index
    %swap3A_7 = vector.load %arg3[%swap3A, %swap3A_6] : memref<2048x64xf32, #tpu.memory_space<vmem>>, vector<2048x64xf32>
    tpu.vector_store %arg3[%swap3A, %swap3A_6], %dot_general3A_5 {strides = array<i32>} : memref<2048x64xf32, #tpu.memory_space<vmem>>, vector<2048x64xf32>,
    return
  }
  func.func @transform_0(%arg0: i32) -> (i32, i32) {
    %c0_i32 = arith.constant 0 : i32
    %c0_i32_0 = arith.constant 0 : i32
    return %arg0, %c0_i32 : i32, i32
  }
  func.func @transform_1(%arg0: i32) -> (i32, i32) {
    %c0_i32 = arith.constant 0 : i32
    %c0_i32_0 = arith.constant 0 : i32
    %c0_i32_1 = arith.constant 0 : i32
    return %c0_i32, %c0_i32_0 : i32, i32
  }
  func.func @transform_2(%arg0: i32) -> (i32, i32) {
    %c0_i32 = arith.constant 0 : i32
    %c0_i32_0 = arith.constant 0 : i32
    return %arg0, %c0_i32 : i32, i32
  }
}

module attributes {stable_mosaic.version = 14 : i64} {
  func.func @_scale_body(%arg0: i32, %arg1: memref<2048x64xf32, #tpu.memory_space<vmem>>, %arg2: memref<32x2048xf32, #tpu.memory_space<vmem>>, %arg3: memref<2048x64xf32, #tpu.memory_space<vmem>>) attributes {dimension_semantics = [#tpu.dimension_semantics<arbitrary>], iteration_bounds = array<i64: 5>, scalar_prefetch = 0 : i64, scratch_operands = 0 : i64, tpu.core_type = #tpu.core_type<tc>, window_params = [{transform_indices = @transform_0, window_bounds = array<i64: 2048, 64>}, {transform_indices = @transform_1, window_bounds = array<i64: 32, 2048>}, {transform_indices = @transform_2, window_bounds = array<i64: 2048, 64>}]} {
    %get3A = arith.constant 0 : index
    %get3A_0 = arith.constant 0 : index
    %get3A_1 = vector.load %arg1[%get3A, %get3A_0] : memref<2048x64xf32, #tpu.memory_space<vmem>>, vector<2048x64xf32>
    %broadcast_in_dim3A = arith.constant 1.000000e+00 : f32
    %broadcast_in_dim3A_2 = vector.broadcast %broadcast_in_dim3A : f32 to vector<32x1xf32>
    %get3A_3 = arith.constant 0 : index
    %get3A_4 = arith.constant 0 : index
    %get3A_5 = vector.load %arg2[%get3A_3, %get3A_4] : memref<32x2048xf32, #tpu.memory_space<vmem>>, vector<32x2048xf32>
    %dot_general3A = arith.constant dense<0.000000e+00> : vector<2048x1xf32>
    %dot_general3A_6 = tpu.matmul %get3A_5, %broadcast_in_dim3A_2, %dot_general3A {dimension_numbers = #tpu.dot_dimension_numbers<[0], [0], [1], [1], [0, 1, 1, 1], [], []>, transpose_lhs_hint = false} : vector<32x2048xf32>, vector<32x1xf32>, vector<2048x1xf32> -> vector<2048x1xf32>
    %add3A = arith.constant 1.000000e+00 : f32
    %add3A_7 = vector.broadcast %add3A : f32 to vector<2048x1xf32>
    %add3A_8 = arith.addf %dot_general3A_6, %add3A_7 : vector<2048x1xf32>
    %rsqrt3A = math.rsqrt %add3A_8 : vector<2048x1xf32>
    %mul3A = vector.broadcast %rsqrt3A : vector<2048x1xf32> to vector<2048x64xf32>
    %mul3A_9 = arith.mulf %get3A_1, %mul3A : vector<2048x64xf32>
    %swap3A = arith.constant 0 : index
    %swap3A_10 = arith.constant 0 : index
    %swap3A_11 = vector.load %arg3[%swap3A, %swap3A_10] : memref<2048x64xf32, #tpu.memory_space<vmem>>, vector<2048x64xf32>
    tpu.vector_store %arg3[%swap3A, %swap3A_10], %mul3A_9 {strides = array<i32>} : memref<2048x64xf32, #tpu.memory_space<vmem>>, vector<2048x64xf32>,
    return
  }
  func.func @transform_0(%arg0: i32) -> (i32, i32) {
    %c0_i32 = arith.constant 0 : i32
    %c0_i32_0 = arith.constant 0 : i32
    return %arg0, %c0_i32 : i32, i32
  }
  func.func @transform_1(%arg0: i32) -> (i32, i32) {
    %c0_i32 = arith.constant 0 : i32
    %c0_i32_0 = arith.constant 0 : i32
    return %c0_i32, %arg0 : i32, i32
  }
  func.func @transform_2(%arg0: i32) -> (i32, i32) {
    %c0_i32 = arith.constant 0 : i32
    %c0_i32_0 = arith.constant 0 : i32
    return %arg0, %c0_i32 : i32, i32
  }
}

module attributes {stable_mosaic.version = 14 : i64} {
  func.func @_mm2_body(%arg0: i32, %arg1: memref<1x2048x64xf32, #tpu.memory_space<vmem>>, %arg2: memref<1x2048x64xf32, #tpu.memory_space<vmem>>, %arg3: memref<2048x64xf32, #tpu.memory_space<vmem>>, %arg4: memref<32x2048xf32, #tpu.memory_space<vmem>>, %arg5: memref<1x64xf32, #tpu.memory_space<vmem>>, %arg6: memref<64x32xf32, #tpu.memory_space<vmem>>, %arg7: memref<2048x32xf32, #tpu.memory_space<vmem>>) attributes {dimension_semantics = [#tpu.dimension_semantics<arbitrary>], iteration_bounds = array<i64: 5>, scalar_prefetch = 0 : i64, scratch_operands = 0 : i64, tpu.core_type = #tpu.core_type<tc>, window_params = [{transform_indices = @transform_0, window_bounds = array<i64: 1, 2048, 64>}, {transform_indices = @transform_1, window_bounds = array<i64: 1, 2048, 64>}, {transform_indices = @transform_2, window_bounds = array<i64: 2048, 64>}, {transform_indices = @transform_3, window_bounds = array<i64: 32, 2048>}, {pipeline_mode = #tpu.pipeline_mode<synchronous>, transform_indices = @transform_4, window_bounds = array<i64: 1, 64>}, {pipeline_mode = #tpu.pipeline_mode<synchronous>, transform_indices = @transform_5, window_bounds = array<i64: 64, 32>}, {transform_indices = @transform_6, window_bounds = array<i64: 2048, 32>}]} {
    %broadcast_in_dim3A = arith.constant 1.000000e+00 : f32
    %broadcast_in_dim3A_0 = vector.broadcast %broadcast_in_dim3A : f32 to vector<32x1xf32>
    %get3A = arith.constant 0 : index
    %get3A_1 = arith.constant 0 : index
    %get3A_2 = vector.load %arg4[%get3A, %get3A_1] : memref<32x2048xf32, #tpu.memory_space<vmem>>, vector<32x2048xf32>
    %dot_general3A = arith.constant dense<0.000000e+00> : vector<2048x1xf32>
    %dot_general3A_3 = tpu.matmul %get3A_2, %broadcast_in_dim3A_0, %dot_general3A {dimension_numbers = #tpu.dot_dimension_numbers<[0], [0], [1], [1], [0, 1, 1, 1], [], []>, transpose_lhs_hint = false} : vector<32x2048xf32>, vector<32x1xf32>, vector<2048x1xf32> -> vector<2048x1xf32>
    %add3A = arith.constant 1.000000e+00 : f32
    %add3A_4 = vector.broadcast %add3A : f32 to vector<2048x1xf32>
    %add3A_5 = arith.addf %dot_general3A_3, %add3A_4 : vector<2048x1xf32>
    %rsqrt3A = math.rsqrt %add3A_5 : vector<2048x1xf32>
    %get3A_6 = arith.constant 0 : index
    %get3A_7 = arith.constant 0 : index
    %get3A_8 = arith.constant 0 : index
    %get3A_9 = vector.load %arg1[%get3A_6, %get3A_7, %get3A_8] : memref<1x2048x64xf32, #tpu.memory_space<vmem>>, vector<1x2048x64xf32>
    %get3A_10 = vector.shape_cast %get3A_9 : vector<1x2048x64xf32> to vector<2048x64xf32>
    %get3A_11 = arith.constant 0 : index
    %get3A_12 = arith.constant 0 : index
    %get3A_13 = arith.constant 0 : index
    %get3A_14 = vector.load %arg2[%get3A_11, %get3A_12, %get3A_13] : memref<1x2048x64xf32, #tpu.memory_space<vmem>>, vector<1x2048x64xf32>
    %get3A_15 = vector.shape_cast %get3A_14 : vector<1x2048x64xf32> to vector<2048x64xf32>
    %add3A_16 = arith.addf %get3A_10, %get3A_15 : vector<2048x64xf32>
    %get3A_17 = arith.constant 0 : index
    %get3A_18 = arith.constant 0 : index
    %get3A_19 = vector.load %arg3[%get3A_17, %get3A_18] : memref<2048x64xf32, #tpu.memory_space<vmem>>, vector<2048x64xf32>
    %sub3A = arith.subf %add3A_16, %get3A_19 : vector<2048x64xf32>
    %mul3A = vector.broadcast %rsqrt3A : vector<2048x1xf32> to vector<2048x64xf32>
    %mul3A_20 = arith.mulf %mul3A, %sub3A : vector<2048x64xf32>
    %get3A_21 = arith.constant 0 : index
    %get3A_22 = arith.constant 0 : index
    %get3A_23 = vector.load %arg5[%get3A_21, %get3A_22] : memref<1x64xf32, #tpu.memory_space<vmem>>, vector<1x64xf32>
    %add3A_24 = vector.broadcast %get3A_23 : vector<1x64xf32> to vector<2048x64xf32>
    %add3A_25 = arith.addf %mul3A_20, %add3A_24 : vector<2048x64xf32>
    %max3A = arith.constant 0.000000e+00 : f32
    %max3A_26 = vector.broadcast %max3A : f32 to vector<2048x64xf32>
    %max3A_27 = arith.maximumf %add3A_25, %max3A_26 : vector<2048x64xf32>
    %get3A_28 = arith.constant 0 : index
    %get3A_29 = arith.constant 0 : index
    %get3A_30 = vector.load %arg6[%get3A_28, %get3A_29] : memref<64x32xf32, #tpu.memory_space<vmem>>, vector<64x32xf32>
    %dot_general3A_31 = arith.constant dense<0.000000e+00> : vector<2048x32xf32>
    %dot_general3A_32 = tpu.matmul %max3A_27, %get3A_30, %dot_general3A_31 {dimension_numbers = #tpu.dot_dimension_numbers<[1], [0], [0], [1], [0, 0, 1, 1], [], []>, transpose_lhs_hint = false} : vector<2048x64xf32>, vector<64x32xf32>, vector<2048x32xf32> -> vector<2048x32xf32>
    %mul3A_33 = vector.broadcast %rsqrt3A : vector<2048x1xf32> to vector<2048x32xf32>
    %mul3A_34 = arith.mulf %dot_general3A_32, %mul3A_33 : vector<2048x32xf32>
    %swap3A = arith.constant 0 : index
    %swap3A_35 = arith.constant 0 : index
    %swap3A_36 = vector.load %arg7[%swap3A, %swap3A_35] : memref<2048x32xf32, #tpu.memory_space<vmem>>, vector<2048x32xf32>
    tpu.vector_store %arg7[%swap3A, %swap3A_35], %mul3A_34 {strides = array<i32>} : memref<2048x32xf32, #tpu.memory_space<vmem>>, vector<2048x32xf32>,
    return
  }
  func.func @transform_0(%arg0: i32) -> (i32, i32, i32) {
    %c0_i32 = arith.constant 0 : i32
    %c0_i32_0 = arith.constant 0 : i32
    %c0_i32_1 = arith.constant 0 : i32
    return %c0_i32, %arg0, %c0_i32_0 : i32, i32, i32
  }
  func.func @transform_1(%arg0: i32) -> (i32, i32, i32) {
    %c1_i32 = arith.constant 1 : i32
    %c0_i32 = arith.constant 0 : i32
    %c0_i32_0 = arith.constant 0 : i32
    return %c1_i32, %arg0, %c0_i32 : i32, i32, i32
  }
  func.func @transform_2(%arg0: i32) -> (i32, i32) {
    %c0_i32 = arith.constant 0 : i32
    %c0_i32_0 = arith.constant 0 : i32
    return %arg0, %c0_i32 : i32, i32
  }
  func.func @transform_3(%arg0: i32) -> (i32, i32) {
    %c0_i32 = arith.constant 0 : i32
    %c0_i32_0 = arith.constant 0 : i32
    return %c0_i32, %arg0 : i32, i32
  }
  func.func @transform_4(%arg0: i32) -> (i32, i32) {
    %c0_i32 = arith.constant 0 : i32
    %c0_i32_0 = arith.constant 0 : i32
    %c0_i32_1 = arith.constant 0 : i32
    return %c0_i32, %c0_i32_0 : i32, i32
  }
  func.func @transform_5(%arg0: i32) -> (i32, i32) {
    %c0_i32 = arith.constant 0 : i32
    %c0_i32_0 = arith.constant 0 : i32
    %c0_i32_1 = arith.constant 0 : i32
    return %c0_i32, %c0_i32_0 : i32, i32
  }
  func.func @transform_6(%arg0: i32) -> (i32, i32) {
    %c0_i32 = arith.constant 0 : i32
    %c0_i32_0 = arith.constant 0 : i32
    return %arg0, %c0_i32 : i32, i32
  }
}

module attributes {stable_mosaic.version = 14 : i64} {
  func.func @_mm3_body(%arg0: i32, %arg1: memref<1x2048x32xf32, #tpu.memory_space<vmem>>, %arg2: memref<1x2048x32xf32, #tpu.memory_space<vmem>>, %arg3: memref<2048x32xf32, #tpu.memory_space<vmem>>, %arg4: memref<32x2048xf32, #tpu.memory_space<vmem>>, %arg5: memref<1x32xf32, #tpu.memory_space<vmem>>, %arg6: memref<32x40xf32, #tpu.memory_space<vmem>>, %arg7: memref<1x40xf32, #tpu.memory_space<vmem>>, %arg8: memref<2048x32xf32, #tpu.memory_space<vmem>>, %arg9: memref<2048x40xf32, #tpu.memory_space<vmem>>) attributes {dimension_semantics = [#tpu.dimension_semantics<arbitrary>], iteration_bounds = array<i64: 5>, scalar_prefetch = 0 : i64, scratch_operands = 0 : i64, tpu.core_type = #tpu.core_type<tc>, window_params = [{transform_indices = @transform_0, window_bounds = array<i64: 1, 2048, 32>}, {transform_indices = @transform_1, window_bounds = array<i64: 1, 2048, 32>}, {transform_indices = @transform_2, window_bounds = array<i64: 2048, 32>}, {transform_indices = @transform_3, window_bounds = array<i64: 32, 2048>}, {pipeline_mode = #tpu.pipeline_mode<synchronous>, transform_indices = @transform_4, window_bounds = array<i64: 1, 32>}, {pipeline_mode = #tpu.pipeline_mode<synchronous>, transform_indices = @transform_5, window_bounds = array<i64: 32, 40>}, {pipeline_mode = #tpu.pipeline_mode<synchronous>, transform_indices = @transform_6, window_bounds = array<i64: 1, 40>}, {transform_indices = @transform_7, window_bounds = array<i64: 2048, 32>}, {transform_indices = @transform_8, window_bounds = array<i64: 2048, 40>}]} {
    %broadcast_in_dim3A = arith.constant 1.000000e+00 : f32
    %broadcast_in_dim3A_0 = vector.broadcast %broadcast_in_dim3A : f32 to vector<32x1xf32>
    %get3A = arith.constant 0 : index
    %get3A_1 = arith.constant 0 : index
    %get3A_2 = vector.load %arg4[%get3A, %get3A_1] : memref<32x2048xf32, #tpu.memory_space<vmem>>, vector<32x2048xf32>
    %dot_general3A = arith.constant dense<0.000000e+00> : vector<2048x1xf32>
    %dot_general3A_3 = tpu.matmul %get3A_2, %broadcast_in_dim3A_0, %dot_general3A {dimension_numbers = #tpu.dot_dimension_numbers<[0], [0], [1], [1], [0, 1, 1, 1], [], []>, transpose_lhs_hint = false} : vector<32x2048xf32>, vector<32x1xf32>, vector<2048x1xf32> -> vector<2048x1xf32>
    %add3A = arith.constant 1.000000e+00 : f32
    %add3A_4 = vector.broadcast %add3A : f32 to vector<2048x1xf32>
    %add3A_5 = arith.addf %dot_general3A_3, %add3A_4 : vector<2048x1xf32>
    %rsqrt3A = math.rsqrt %add3A_5 : vector<2048x1xf32>
    %get3A_6 = arith.constant 0 : index
    %get3A_7 = arith.constant 0 : index
    %get3A_8 = arith.constant 0 : index
    %get3A_9 = vector.load %arg1[%get3A_6, %get3A_7, %get3A_8] : memref<1x2048x32xf32, #tpu.memory_space<vmem>>, vector<1x2048x32xf32>
    %get3A_10 = vector.shape_cast %get3A_9 : vector<1x2048x32xf32> to vector<2048x32xf32>
    %get3A_11 = arith.constant 0 : index
    %get3A_12 = arith.constant 0 : index
    %get3A_13 = arith.constant 0 : index
    %get3A_14 = vector.load %arg2[%get3A_11, %get3A_12, %get3A_13] : memref<1x2048x32xf32, #tpu.memory_space<vmem>>, vector<1x2048x32xf32>
    %get3A_15 = vector.shape_cast %get3A_14 : vector<1x2048x32xf32> to vector<2048x32xf32>
    %add3A_16 = arith.addf %get3A_10, %get3A_15 : vector<2048x32xf32>
    %get3A_17 = arith.constant 0 : index
    %get3A_18 = arith.constant 0 : index
    %get3A_19 = vector.load %arg3[%get3A_17, %get3A_18] : memref<2048x32xf32, #tpu.memory_space<vmem>>, vector<2048x32xf32>
    %sub3A = arith.subf %add3A_16, %get3A_19 : vector<2048x32xf32>
    %mul3A = vector.broadcast %rsqrt3A : vector<2048x1xf32> to vector<2048x32xf32>
    %mul3A_20 = arith.mulf %mul3A, %sub3A : vector<2048x32xf32>
    %get3A_21 = arith.constant 0 : index
    %get3A_22 = arith.constant 0 : index
    %get3A_23 = vector.load %arg5[%get3A_21, %get3A_22] : memref<1x32xf32, #tpu.memory_space<vmem>>, vector<1x32xf32>
    %add3A_24 = vector.broadcast %get3A_23 : vector<1x32xf32> to vector<2048x32xf32>
    %add3A_25 = arith.addf %mul3A_20, %add3A_24 : vector<2048x32xf32>
    %max3A = arith.constant 0.000000e+00 : f32
    %max3A_26 = vector.broadcast %max3A : f32 to vector<2048x32xf32>
    %max3A_27 = arith.maximumf %add3A_25, %max3A_26 : vector<2048x32xf32>
    %swap3A = arith.constant 0 : index
    %swap3A_28 = arith.constant 0 : index
    %swap3A_29 = vector.load %arg8[%swap3A, %swap3A_28] : memref<2048x32xf32, #tpu.memory_space<vmem>>, vector<2048x32xf32>
    tpu.vector_store %arg8[%swap3A, %swap3A_28], %max3A_27 {strides = array<i32>} : memref<2048x32xf32, #tpu.memory_space<vmem>>, vector<2048x32xf32>,
    %get3A_30 = arith.constant 0 : index
    %get3A_31 = arith.constant 0 : index
    %get3A_32 = vector.load %arg6[%get3A_30, %get3A_31] : memref<32x40xf32, #tpu.memory_space<vmem>>, vector<32x40xf32>
    %dot_general3A_33 = arith.constant dense<0.000000e+00> : vector<2048x40xf32>
    %dot_general3A_34 = tpu.matmul %max3A_27, %get3A_32, %dot_general3A_33 {dimension_numbers = #tpu.dot_dimension_numbers<[1], [0], [0], [1], [0, 0, 1, 1], [], []>, transpose_lhs_hint = false} : vector<2048x32xf32>, vector<32x40xf32>, vector<2048x40xf32> -> vector<2048x40xf32>
    %get3A_35 = arith.constant 0 : index
    %get3A_36 = arith.constant 0 : index
    %get3A_37 = vector.load %arg7[%get3A_35, %get3A_36] : memref<1x40xf32, #tpu.memory_space<vmem>>, vector<1x40xf32>
    %add3A_38 = vector.broadcast %get3A_37 : vector<1x40xf32> to vector<2048x40xf32>
    %add3A_39 = arith.addf %dot_general3A_34, %add3A_38 : vector<2048x40xf32>
    %swap3A_40 = arith.constant 0 : index
    %swap3A_41 = arith.constant 0 : index
    %swap3A_42 = vector.load %arg9[%swap3A_40, %swap3A_41] : memref<2048x40xf32, #tpu.memory_space<vmem>>, vector<2048x40xf32>
    tpu.vector_store %arg9[%swap3A_40, %swap3A_41], %add3A_39 {strides = array<i32>} : memref<2048x40xf32, #tpu.memory_space<vmem>>, vector<2048x40xf32>,
    return
  }
  func.func @transform_0(%arg0: i32) -> (i32, i32, i32) {
    %c0_i32 = arith.constant 0 : i32
    %c0_i32_0 = arith.constant 0 : i32
    %c0_i32_1 = arith.constant 0 : i32
    return %c0_i32, %arg0, %c0_i32_0 : i32, i32, i32
  }
  func.func @transform_1(%arg0: i32) -> (i32, i32, i32) {
    %c1_i32 = arith.constant 1 : i32
    %c0_i32 = arith.constant 0 : i32
    %c0_i32_0 = arith.constant 0 : i32
    return %c1_i32, %arg0, %c0_i32 : i32, i32, i32
  }
  func.func @transform_2(%arg0: i32) -> (i32, i32) {
    %c0_i32 = arith.constant 0 : i32
    %c0_i32_0 = arith.constant 0 : i32
    return %arg0, %c0_i32 : i32, i32
  }
  func.func @transform_3(%arg0: i32) -> (i32, i32) {
    %c0_i32 = arith.constant 0 : i32
    %c0_i32_0 = arith.constant 0 : i32
    return %c0_i32, %arg0 : i32, i32
  }
  func.func @transform_4(%arg0: i32) -> (i32, i32) {
    %c0_i32 = arith.constant 0 : i32
    %c0_i32_0 = arith.constant 0 : i32
    %c0_i32_1 = arith.constant 0 : i32
    return %c0_i32, %c0_i32_0 : i32, i32
  }
  func.func @transform_5(%arg0: i32) -> (i32, i32) {
    %c0_i32 = arith.constant 0 : i32
    %c0_i32_0 = arith.constant 0 : i32
    %c0_i32_1 = arith.constant 0 : i32
    return %c0_i32, %c0_i32_0 : i32, i32
  }
  func.func @transform_6(%arg0: i32) -> (i32, i32) {
    %c0_i32 = arith.constant 0 : i32
    %c0_i32_0 = arith.constant 0 : i32
    %c0_i32_1 = arith.constant 0 : i32
    return %c0_i32, %c0_i32_0 : i32, i32
  }
  func.func @transform_7(%arg0: i32) -> (i32, i32) {
    %c0_i32 = arith.constant 0 : i32
    %c0_i32_0 = arith.constant 0 : i32
    return %arg0, %c0_i32 : i32, i32
  }
  func.func @transform_8(%arg0: i32) -> (i32, i32) {
    %c0_i32 = arith.constant 0 : i32
    %c0_i32_0 = arith.constant 0 : i32
    return %arg0, %c0_i32 : i32, i32
  }
}

</mosaic_0001>

<sc_bundles>
// kernel: kernel.12.cloned.1.call-start
scs
__scs_entry_jumppad:
0x0: {  	(pc) =	sbr.rel $0x88, $3  }
0x1: {  	(tag) =	ssettag $0x0;
	lr =	simm.s32 $0x1  }
0x2: {  	[smem:$0x3F99] =	sst lr;
	_ =	strace $0xD0000000  }
0x3: {  	_ = 	snop  }
0x4: {  	_ = 	snop  }
0x5: {  	_ = 	snop  }
0x6: {  	_ = 	snop  }
0x7: {  	_ = 	snop  }
__scs_overlays_trampoline_lowered:
0x8: {  	[smem:$0x3FA8] =	sst s0  }
0x9: {  	[smem:$0x3FA9] =	sst s1  }
0xa: {  	[smem:$0x3FAA] =	sst s2  }
0xb: {  	[smem:$0x3FAB] =	sst s3  }
0xc: {  	[smem:$0x3FAC] =	sst s4  }
0xd: {  	[smem:$0x3FAD] =	sst s5  }
0xe: {  	[smem:$0x3FAE] =	sst s6  }
0xf: {  	[smem:$0x3FAF] =	sst s7  }
0x10: {  	[smem:$0x3FB0] =	sst s8  }
0x11: {  	[smem:$0x3FB1] =	sst s9;
	s0 =	simm.s32 @!p0 $0x0  }
0x12: {  	s1 =	sld [smem:$0x3F97];
	s0 =	simm.s32 @p0 $0x1  }
0x13: {  	[smem:$0x3FB2] =	sst s0;
	s0 =	simm.s32 @!p1 $0x0  }
0x14: {  	s2 =	sld [smem:$0x3F96];
	s0 =	simm.s32 @p1 $0x1  }
0x15: {  	[smem:$0x3FB3] =	sst s0;
	s0 =	simm.s32 @!p2 $0x0  }
0x16: {  	s3 =	sld [smem:$0x3FDB];
	s0 =	simm.s32 @p2 $0x1  }
0x17: {  	s4 =	simm.s32 $0x1BF5;
	[smem:$0x3FB5] =	sst s0  }
0x18: {  	s0 =	sld [smem:$0x3F98];
	_ =	swait.ge [sflag:s4], $0x0  }
0x19: {  	s7 =	sld [smem:$0x3F99]  }
0x1a: {  	s8 =	sadd.s32 $0xFFFFE003, lr  }
0x1b: {  	s9 =	sadd.s32 $0xFFFFFEF7, lr;
	s5 =	simm.s32 $0xFFFFFFFF;
	p2 =	slt.u32 s8, $0xFFFFF086  }
0x1c: {  	p1 =	slt.u32 s9, $0xF7A;
	s5 =	simm.s32 @!p2 $0x0  }
0x1d: {  	s5 =	simm.s32 @p1 $0x1;
	p0 =	seq.s32 s7, s2  }
0x1e: {  	s7 =	smul.u32 @!p0 $0xF7A, s2;
	p2 =	seq.s32 @!p0 s5, $0x0  }
0x1f: {  	s9 =	smul.u32 $0xF7A, s1;
	s8 =	simm.s32 @!p0 $0x1BF5;
	p2 =	por !p2, p0  }
0x20: {  	[sflag:s8] =	ssyncset.s32 @!p0 $0xFFFFF086;
	s6 =	sadd.s32 @!p0 s3, s7;
	s7 =	simm.s32 @!p0 $0x108  }
0x21: {  	s3 =	sadd.s32 s3, s9;
	s6 =	sadd.s32 @!p0 $0x88, s6;
	s7 =	simm.s32 @p2 $0x1082  }
0x22: {  	[simem:s7], [sflag:s8] =	dma.local @!p0 [hbm:s6], $0xF7A  }
0x23: {  	s9 =	sor.u32 $0xD0000000, s2;
	s6 =	simm.s32 $0x108;
	_ =	swait.ge @!p0 [sflag:s8], $0x0  }
0x24: {  	s3 =	sadd.s32 $0x88, s3;
	s6 =	simm.s32 @!p1 $0x1082;
	[sflag:s4] =	ssyncset.s32 $0xFFFFF086  }
0x25: {  	[simem:s6], [sflag:s4] =	dma.local [hbm:s3], $0xF7A  }
0x26: {  	[smem:$0x3F99] =	sst s1;
	(tag) =	ssettag s2;
	_ =	strace s9  }
0x27: {  	s1 =	sld [smem:$0x3FA9]  }
0x28: {  	s2 =	sld [smem:$0x3FAA]  }
0x29: {  	s4 =	sld [smem:$0x3FAC]  }
0x2a: {  	p0 =	seq.s32 s5, $0x0;
	s5 =	sld [smem:$0x3FAD]  }
0x2b: {  	s6 =	sld [smem:$0x3FAE]  }
0x2c: {  	s7 =	sld [smem:$0x3FAF]  }
0x2d: {  	s3 =	simm.s32 $0x108;
	s8 =	sld [smem:$0x3FB0]  }
0x2e: {  	s3 =	simm.s32 @!p0 $0x1082;
	s9 =	sld [smem:$0x3FB1]  }
0x2f: {  	lr =	sadd.s32 s0, s3;
	s0 =	sld [smem:$0x3FA8]  }
0x30: {  	s3 =	sld [smem:$0x3FAB]  }
0x31: {  	[smem:$0x3FB4] =	sst s10  }
0x32: {  	s10 =	sld [smem:$0x3FB2];
	_ =	sdelay $0x3  }
0x33: {  	p0 =	seq.s32 s10, $0x1;
	s10 =	sld [smem:$0x3FB4];
	_ =	sdelay $0x3  }
0x34: {  	[smem:$0x3FB4] =	sst s10  }
0x35: {  	s10 =	sld [smem:$0x3FB3];
	_ =	sdelay $0x3  }
0x36: {  	p1 =	seq.s32 s10, $0x1;
	s10 =	sld [smem:$0x3FB4];
	_ =	sdelay $0x3  }
0x37: {  	[smem:$0x3FB4] =	sst s10  }
0x38: {  	s10 =	sld [smem:$0x3FB5]  }
0x39: {  	_ = 	snop;
	(pc) =	sbr.ind lr, $3  }
0x3a: {  	_ = 	snop  }
0x3b: {  	_ = 	snop  }
0x3c: {  	p2 =	seq.s32 s10, $0x1;
	s10 =	sld [smem:$0x3FB4]  }
0x3d: {  	_ =	shalt  }
0x3e: {  	_ =	shalt  }
0x3f: {  	_ =	shalt  }
0x40: {  	_ =	shalt  }
0x41: {  	_ =	shalt  }
0x42: {  	_ =	shalt  }
0x43: {  	_ =	shalt  }
0x44: {  	_ =	shalt  }
0x45: {  	_ =	shalt  }
0x46: {  	_ =	shalt  }
0x47: {  	_ =	shalt  }
0x48: {  	_ =	shalt  }
0x49: {  	_ =	shalt  }
0x4a: {  	_ =	shalt  }
0x4b: {  	_ =	shalt  }
0x4c: {  	_ =	shalt  }
0x4d: {  	_ =	shalt  }
0x4e: {  	_ =	shalt  }
0x4f: {  	_ =	shalt  }
0x50: {  	_ =	shalt  }
0x51: {  	_ =	shalt  }
0x52: {  	_ =	shalt  }
0x53: {  	_ =	shalt  }
0x54: {  	_ =	shalt  }
0x55: {  	_ =	shalt  }
0x56: {  	_ =	shalt  }
0x57: {  	_ =	shalt  }
0x58: {  	_ =	shalt  }
0x59: {  	_ =	shalt  }
0x5a: {  	_ =	shalt  }
0x5b: {  	_ =	shalt  }
0x5c: {  	_ =	shalt  }
0x5d: {  	_ =	shalt  }
0x5e: {  	_ =	shalt  }
0x5f: {  	_ =	shalt  }
0x60: {  	_ =	shalt  }
0x61: {  	_ =	shalt  }
0x62: {  	_ =	shalt  }
0x63: {  	_ =	shalt  }
0x64: {  	_ =	shalt  }
0x65: {  	_ =	shalt  }
0x66: {  	_ =	shalt  }
0x67: {  	_ =	shalt  }
0x68: {  	_ =	shalt  }
0x69: {  	_ =	shalt  }
0x6a: {  	_ =	shalt  }
0x6b: {  	_ =	shalt  }
0x6c: {  	_ =	shalt  }
0x6d: {  	_ =	shalt  }
0x6e: {  	_ =	shalt  }
0x6f: {  	_ =	shalt  }
0x70: {  	_ =	shalt  }
0x71: {  	_ =	shalt  }
0x72: {  	_ =	shalt  }
0x73: {  	_ =	shalt  }
0x74: {  	_ =	shalt  }
0x75: {  	_ =	shalt  }
0x76: {  	_ =	shalt  }
0x77: {  	_ =	shalt  }
0x78: {  	_ =	shalt  }
0x79: {  	_ =	shalt  }
0x7a: {  	_ =	shalt  }
0x7b: {  	_ =	shalt  }
0x7c: {  	_ =	shalt  }
0x7d: {  	_ =	shalt  }
0x7e: {  	_ =	shalt  }
0x7f: {  	_ =	shalt  }
0x80: {  	_ =	shalt  }
0x81: {  	_ =	shalt  }
0x82: {  	_ =	shalt  }
0x83: {  	_ =	shalt  }
0x84: {  	_ =	shalt  }
0x85: {  	_ =	shalt  }
0x86: {  	_ =	shalt  }
0x87: {  	_ =	shalt  }
.Lfunc_end0:
.L_simem_size_0:
called_computation.1_lowered:
.L_overlay_start_0:
0x88: {  	s2 =	sld [smem:$0x3FD9]  }
0x89: {  	s3 =	sld [smem:$0x3FFE];
	_ =	sdelay $0x1  }
0x8a: {  	s1 =	srdreg.scid  }
0x8b: {  	s0 =	sand.u32 $0x1, s1  }
0x8c: {  	s14 =	sshll.u32 s0, $0xA;
	s2 =	sadd.s32 s3, s2  }
0x8d: {  	s2 =	sadd.s32 s2, s14  }
0x8e: {  	[smem:$0x3FC0] =	sst s2  }
0x8f: {  	_ = 	snop  }
0x90: {  	s2 =	sld [smem:$0x3FD0];
	_ =	sdelay $0x2  }
0x91: {  	s15 =	simm.s32 $0xA;
	s4 =	simm.s32 $0x10  }
0x92: {  	[smem:s4], [sflag:s15] =	dma.local [hbm:s2], $0x1  }
0x93: {  	_ =	swait.eq [sflag:s15], $0x1  }
0x94: {  	[sflag:s15] =	ssyncset.done $0x0  }
0x95: {  	[sflag:s15] =	ssyncadd.s32 $0xFFFFFFFF  }
0x96: {  	s16 =	sld [smem:$0x11];
	(tm) =	ssettm $0x1  }
0x97: {  	s17 =	sld [smem:$0x3FFB];
	_ =	sdelay $0x3  }
0x98: {  	_ =	strace s17  }
0x99: {  	s3 =	sld [smem:$0x3FFC];
	_ =	sdelay $0x3  }
0x9a: {  	_ =	strace s3  }
0x9b: {  	s3 =	sld [smem:$0x3FFD];
	_ =	sdelay $0x3  }
0x9c: {  	_ =	strace s3  }
0x9d: {  	_ =	strace $0x8FFFFFFF  }
0x9e: {  	s18 =	sld [smem:$0x3FDB];
	_ =	sdelay $0x1  }
0x9f: {  	s19 =	simm.s32 $_scs_section_size  }
0xa0: {  	s5 =	simm.s32 $_size__tile_overlayer_lowered;
	s6 =	simm.s32 $_tile_overlayer_lowered  }
0xa1: {  	s22 =	simm.s32 $0x1BFF;
	s21 =	sshll.u32 s6, $0x1;
	s3 =	sadd.s32 s19, s18  }
0xa2: {  	s7 =	simm.s32 $0x0;
	s20 =	sshll.u32 s5, $0x1;
	s5 =	sadd.s32 s21, s3  }
0xa3: {  	[timem:s7], [sflag:s22] =	dma.local [hbm:s5], s20  }
0xa4: {  	_ =	swait.ge [sflag:s22], s20  }
0xa5: {  	s4 =	ssub.s32 $0x0, s20;
	[sflag:s22] =	ssyncset.done $0x0  }
0xa6: {  	[sflag:s22] =	ssyncadd.s32 s4;
	_ =	sdelay $0x1  }
0xa7: {  	s23 =	simm.s32 $0x1B8B  }
0xa8: {  	_ =	swait.ge [sflag:s23], $0x1  }
0xa9: {  	[sflag:s23] =	ssyncset.done $0x0  }
0xaa: {  	s25 =	simm.s32 $0x1B8E;
	s24 =	sld [smem:$0x3FFE];
	[sflag:s23] =	ssyncadd.s32 $0xFFFFFFFF  }
0xab: {  	s26 =	simm.s32 $execute0_lowered;
	[smem:$0x3FD2] =	sst s25  }
0xac: {  	s5 =	sshll.u32 s26, $0x1;
	_ =	strace $0x80000049;
	[dreg:$0x1] =	wrdreg $0xFFFFFFFF  }
0xad: {  	s28 =	simm.s32 $_size_execute0_lowered;
	s3 =	sadd.s32 s3, s5;
	[dreg:$0x0] =	wrdreg $0x0  }
0xae: {  	s5 =	sshll.u32 s28, $0x1;
	[dreg:$0x2] =	wrdreg s3  }
0xaf: {  	[dreg:$0x3] =	wrdreg s5  }
0xb0: {  	[dreg:$0x4] =	wrdreg $0xC0  }
0xb1: {  	_ =	task [dreg:s7], $0x5FFFF  }
0xb2: {  	[dreg:$0x1] =	wrdreg $0xFFFFFFFF  }
0xb3: {  	[dreg:$0x0] =	wrdreg $0x60  }
0xb4: {  	[dreg:$0x2] =	wrdreg s24  }
0xb5: {  	[dreg:$0x3] =	wrdreg s16  }
0xb6: {  	[dreg:$0x4] =	wrdreg $0x130000  }
0xb7: {  	[dreg:$0x5] =	wrdreg $0x90000  }
0xb8: {  	[dreg:$0x6] =	wrdreg $0x9  }
0xb9: {  	_ =	task.clear_ibuf [dreg:s7], $0x7FFFF;
	_ =	strace $0x90000049  }
0xba: {  	s29 =	simm.s32 $0x9;
	_ =	strace $0x8000004B  }
0xbb: {  	_ =	swait.ge [sflag:s29], $0x1  }
0xbc: {  	[sflag:s29] =	ssyncadd.s32 $0xFFFFFFFF  }
0xbd: {  	_ =	strace $0x9000004B  }
0xbe: {  	_ =	sfence  }
0xbf: {  	s30 =	sld [smem:$0x0];
	_ =	sdelay $0x2  }
0xc0: {  	s31 =	sshll.u32 s1, $0xD;
	s1 =	sshrl.u32 s1, $0x2  }
0xc1: {  	s3 =	sand.u32 $0x4000, s31;
	s1 =	sadd.s32 s1, s30  }
0xc2: {  	s0 =	sor.u32 s3, s0;
	s1 =	sshll.u32 s1, $0x11  }
0xc3: {  	s0 =	sor.u32 s1, s0  }
0xc4: {  	s0 =	sadd.s32 $0x8F2B, s0  }
0xc5: {  	[sflag:s0] =	ssyncadd.remote.s32 $0x1  }
0xc6: {  	_ =	sfence.sel $0xFFFF  }
0xc7: {  	[dreg:$0x0] =	wrdreg $0xFFFFFFFF;
	(pc) =	sbr.abs _section_cstart, $3  }
0xc8: {  	[dreg:$0x1] =	wrdreg $0xFFFFFFFF  }
0xc9: {  	_ =	task.clear_ibuf [dreg:s7], $0x2FFFF;
	_ =	strace $0x9FFFFFFF  }
0xca: {  	(tm) =	ssettm $0x7FFFFFFF  }
0xcb: {  	_ =	shalt  }
tec
execute0_lowered:
.L_overlay_start_1:
0x0: {  	(tag) =	ssettag $0x1  }
0x1: {  	s5 =	rddreg [dreg:$0x0]  }
0x2: {  	s6 =	rddreg [dreg:$0x1]  }
0x3: {  	s2 =	rddreg [dreg:$0x2]  }
0x4: {  	s3 =	rddreg [dreg:$0x3]  }
0x5: {  	s0 =	rddreg [dreg:$0x4]  }
0x6: {  	s1 =	stileid.u32;
	s7 =	srdreg.scid  }
0x7: {  	s4 =	simm.s32 $0x0;
	s15 =	simm.s32 $0x80;
	s16 =	simm.s32 $0x5000  }
0x8: {  	s17 =	simm.s32 $0x7000;
	s18 =	simm.s32 $0x1;
	s19 =	simm.s32 $0x2  }
0x9: {  	s20 =	simm.s32 $0x4F00;
	s21 =	simm.s32 $0x4F80;
	s22 =	simm.s32 $0x0  }
0xa: {  	s8 =	smul.u32 $0xA000, s1;
	s7 =	sand.u32 $0x1, s7;
	[smem:$0x7FF] =	sst s4  }
0xb: {  	s31 =	sshll.u32 s1, $0x6;
	s9 =	sshll.u32 s7, $0x4;
	s10 =	smul.u32 $0xA0000, s7  }
0xc: {  	_ =	strace $0x8000004A;
	s7 =	ssub.s32 $0x2, s7;
	s11 =	sshrl.u32 s8, $0x3  }
0xd: {  	s9 =	sor.u32 s1, s9;
	s12 =	sshrl.u32 s7, $0x1;
	s30 =	sadd.s32 s8, s2  }
0xe: {  	s14 =	sadd.s32 s8, s3;
	s9 =	smul.u32 $0x500, s9;
	s10 =	sadd.s32 s8, s10  }
0xf: {  	s11 =	sadd.s32 s11, s5;
	s12 =	ssub.s32 s7, s12;
	s14 =	sshrl.u32 s14, $0x3  }
0x10: {  	s10 =	sshrl.u32 s10, $0x3;
	s7 =	sadd.s32 $0x15A00, s11;
	s11 =	simm.s32 $0x2800  }
0x11: {  	s13 =	sadd.s32 s9, s5;
	s10 =	sadd.s32 s10, s5;
	s6 =	sadd.s32 s6, s9  }
0x12: {  	s9 =	smax.u32 s12, $0x1;
	s12 =	sor.u32 $0x1C03, s31;
	s5 =	sadd.s32 $0xBA00, s13  }
0x13: {  	s8 =	sadd.s32 $0x29A00, s10;
	s10 =	simm.s32 $0x3;
	s13 =	sshrl.u32 s30, $0x3  }
.LBB2_1:
0x14: {  	[tilespmem:s4], [sflag:$0x3] =	stream.linear.gather [hbm4b:s5+s4], $0x2800, $0x38;
	[tilespmem:$0x1D000] =	vst v63  }
0x15: {  	_ =	swait.ge [sflag:s10], $0x2800  }
0x16: {  	[sflag:s10] =	ssyncset.done $0x0  }
0x17: {  	[sflag:s10] =	ssyncadd.s32 $0xFFFFD800  }
0x18: {  	[tilespmem:s11], [sflag:$0x3] =	stream.linear.gather [hbm4b:s6+s4], $0x2800, $0x38;
	[tilespmem:$0x1D000] =	vst v63  }
0x19: {  	_ =	swait.ge [sflag:s10], $0x2800  }
0x1a: {  	[sflag:s10] =	ssyncset.done $0x0  }
0x1b: {  	[sflag:s10] =	ssyncadd.s32 $0xFFFFD800  }
0x1c: {  	[spmem:s13], [sflag:s12] =	dma.local [hbm:s7], $0x1400  }
0x1d: {  	_ =	swait.ge [sflag:s10], $0x1400  }
0x1e: {  	[sflag:s10] =	ssyncset.done $0x0  }
0x1f: {  	[sflag:s10] =	ssyncadd.s32 $0xFFFFEC00  }
0x20: {  	[spmem:s14], [sflag:s12] =	dma.local [hbm:s7], $0x1400  }
0x21: {  	_ =	swait.ge [sflag:s10], $0x1400  }
0x22: {  	[sflag:s10] =	ssyncset.done $0x0  }
0x23: {  	[sflag:s10] =	ssyncadd.s32 $0xFFFFEC00  }
0x24: {  	[bflag:$0x0] =	sbarrier.arrive $0xFFFF  }
0x25: {  	[tilespmem:s16], [sflag:$0x1] =	stream.indirect.gather [spmem:s2], $0x40, s4, s15, $0xb8;
	[tilespmem:$0x1D000] =	vst v63  }
0x26: {  	_ = 	snop  }
0x27: {  	[tilespmem:s17], [sflag:$0x2] =	stream.indirect.gather [spmem:s2], $0x40, s15, s15, $0xb8;
	[tilespmem:$0x1D000] =	vst v63  }
0x28: {  	_ =	swait.ge [sflag:s18], $0x2000  }
0x29: {  	[sflag:s18] =	ssyncset.done $0x0  }
0x2a: {  	s23 =	simm.s32 $0x2800;
	[sflag:s18] =	ssyncadd.s32 $0xFFFFE000  }
0x2b: {  	[spmem:s3] =	stream.indirect.scatter.add.f32 [tilespmem:s16], [sflag:$0x3], $0x40, s23, s15, $0xb8;
	[tilespmem:$0x1D000] =	vst v63  }
0x2c: {  	_ =	swait.ge [sflag:s10], $0x2000  }
0x2d: {  	[sflag:s10] =	ssyncset.done $0x0  }
0x2e: {  	s30 =	simm.s32 $0x100;
	[sflag:s10] =	ssyncadd.s32 $0xFFFFE000  }
0x2f: {  	[tilespmem:s16], [sflag:$0x1] =	stream.indirect.gather [spmem:s2], $0x40, s30, s15, $0xb8;
	[tilespmem:$0x1D000] =	vst v63  }
0x30: {  	_ =	swait.ge [sflag:s19], $0x2000  }
0x31: {  	[sflag:s19] =	ssyncset.done $0x0  }
0x32: {  	s31 =	simm.s32 $0x2880;
	[sflag:s19] =	ssyncadd.s32 $0xFFFFE000  }
0x33: {  	[spmem:s3] =	stream.indirect.scatter.add.f32 [tilespmem:s17], [sflag:$0x3], $0x40, s31, s15, $0xb8;
	[tilespmem:$0x1D000] =	vst v63  }
0x34: {  	_ =	swait.ge [sflag:s10], $0x2000  }
0x35: {  	[sflag:s10] =	ssyncset.done $0x0  }
0x36: {  	s24 =	simm.s32 $0x180;
	s23 =	simm.s32 $0x400;
	[sflag:s10] =	ssyncadd.s32 $0xFFFFE000  }
.LBB2_2:
0x37: {  	[tilespmem:s17], [sflag:$0x2] =	stream.indirect.gather [spmem:s2], $0x40, s24, s15, $0xb8;
	[tilespmem:$0x1D000] =	vst v63  }
0x38: {  	s24 =	smov.u32 s23  }
0x39: {  	p0 =	sne.s32 s23, $0x9800;
	s23 =	sadd.s32 $0x400, s23;
	_ =	swait.ge [sflag:s18], $0x2000  }
0x3a: {  	s24 =	sshra.s32 s24, $0x2;
	[sflag:s18] =	ssyncset.done $0x0  }
0x3b: {  	s25 =	sadd.s32 $0x2800, s24;
	[sflag:s18] =	ssyncadd.s32 $0xFFFFE000  }
0x3c: {  	[spmem:s3] =	stream.indirect.scatter.add.f32 [tilespmem:s16], [sflag:$0x3], $0x40, s25, s15, $0xb8;
	[tilespmem:$0x1D000] =	vst v63  }
0x3d: {  	_ =	swait.ge [sflag:s10], $0x2000  }
0x3e: {  	[sflag:s10] =	ssyncset.done $0x0  }
0x3f: {  	s25 =	sadd.s32 $0x100, s24;
	[sflag:s10] =	ssyncadd.s32 $0xFFFFE000  }
0x40: {  	[tilespmem:s16], [sflag:$0x1] =	stream.indirect.gather [spmem:s2], $0x40, s25, s15, $0xb8;
	[tilespmem:$0x1D000] =	vst v63  }
0x41: {  	_ =	swait.ge [sflag:s19], $0x2000  }
0x42: {  	[sflag:s19] =	ssyncset.done $0x0  }
.Ltmp0:
0x43: {  	s25 =	sadd.s32 $0x2880, s24;
	[sflag:s19] =	ssyncadd.s32 $0xFFFFE000;
	(pc) =	sbr.rel @p0 .LBB2_2-.Ltmp0, $4  }
0x44: {  	[spmem:s3] =	stream.indirect.scatter.add.f32 [tilespmem:s17], [sflag:$0x3], $0x40, s25, s15, $0xb8;
	[tilespmem:$0x1D000] =	vst v63  }
0x45: {  	_ =	swait.ge [sflag:s10], $0x2000  }
0x46: {  	[sflag:s10] =	ssyncset.done $0x0  }
0x47: {  	s24 =	sadd.s32 $0x180, s24;
	[sflag:s10] =	ssyncadd.s32 $0xFFFFE000  }
0x48: {  	[tilespmem:s17], [sflag:$0x2] =	stream.indirect.gather [spmem:s2], $0x40, s24, s15, $0xb8;
	[tilespmem:$0x1D000] =	vst v63  }
0x49: {  	_ =	swait.ge [sflag:s18], $0x2000  }
0x4a: {  	[sflag:s18] =	ssyncset.done $0x0  }
0x4b: {  	[sflag:s18] =	ssyncadd.s32 $0xFFFFE000  }
0x4c: {  	[spmem:s3] =	stream.indirect.scatter.add.f32 [tilespmem:s16], [sflag:$0x3], $0x40, s20, s15, $0xb8;
	[tilespmem:$0x1D000] =	vst v63  }
0x4d: {  	_ =	swait.ge [sflag:s10], $0x2000  }
0x4e: {  	[sflag:s10] =	ssyncset.done $0x0  }
0x4f: {  	[sflag:s10] =	ssyncadd.s32 $0xFFFFE000  }
0x50: {  	_ =	swait.ge [sflag:s19], $0x2000  }
0x51: {  	[sflag:s19] =	ssyncset.done $0x0  }
0x52: {  	[sflag:s19] =	ssyncadd.s32 $0xFFFFE000  }
0x53: {  	[spmem:s3] =	stream.indirect.scatter.add.f32 [tilespmem:s17], [sflag:$0x3], $0x40, s21, s15, $0xb8;
	[tilespmem:$0x1D000] =	vst v63  }
0x54: {  	_ =	swait.ge [sflag:s10], $0x2000  }
0x55: {  	s22 =	sadd.s32 $0x1, s22;
	[sflag:s10] =	ssyncset.done $0x0  }
0x56: {  	p0 =	sne.s32 s22, s9;
	[sflag:s10] =	ssyncadd.s32 $0xFFFFE000  }
.Ltmp1:
0x57: {  	[bflag:$0x0] =	sbarrier.arrive $0xFFFF;
	(pc) =	sbr.rel @p0 .LBB2_1-.Ltmp1, $4  }
0x58: {  	[hbm:s8], [sflag:s12] =	dma.local [spmem:s14], $0x1400  }
0x59: {  	_ =	swait.ge [sflag:s10], $0x1400  }
0x5a: {  	[sflag:s10] =	ssyncset.done $0x0  }
0x5b: {  	[sflag:s10] =	ssyncadd.s32 $0xFFFFEC00  }
0x5c: {  	_ =	sfence.sel $0x180000  }
0x5d: {  	[bflag:$0x0] =	sbarrier.arrive $0xFFFF  }
0x5e: {  	p0 =	sne.s32 s1, $0x0;
	_ =	strace $0x9000004A  }
0x5f: {  	s0 =	sadd.s32 @!p0 $0x100000, s0;
	[bflag:$0x2] =	sbarrier.arrive $0xFFFF  }
0x60: {  	[sflag:s0] =	ssyncadd.tile.s32 @!p0 $0x1;
	_ =	shalt  }
.Lfunc_end2:
_tile_overlayer_lowered:
.L_overlay_start_2:
0x61: {  	(tag) =	ssettag $0x2  }
0x62: {  	s0 =	rddreg [dreg:$0x0];
	s2 =	stileid.u32  }
0x63: {  	s1 =	rddreg [dreg:$0x1];
	p0 =	sne.s32 s2, $0x0  }
0x64: {  	s3 =	rddreg [dreg:$0x2];
	[bflag:$0x3] =	sbarrier.arrive $0xFFFF;
	s2 =	simm.s32 @!p0 $0x1C03  }
0x65: {  	[timem:s3], [sflag:s2] =	dma.local @!p0 [hbm:s0], s1  }
0x66: {  	s0 =	simm.s32 @!p0 $0x3  }
0x67: {  	_ =	swait.ge @!p0 [sflag:s0], s1  }
0x68: {  	s1 =	ssub.s32 @!p0 $0x0, s1;
	[sflag:s0] =	ssyncset.done @!p0 $0x0  }
0x69: {  	[sflag:s0] =	ssyncadd.s32 @!p0 s1  }
0x6a: {  	[bflag:$0x3] =	sbarrier.arrive $0xFFFF  }
0x6b: {  	_ =	shalt  }

// kernel: kernel.15.cloned.1.call-start
scs
__scs_entry_jumppad:
0x0: {  	(pc) =	sbr.rel $0x88, $3  }
0x1: {  	(tag) =	ssettag $0x0;
	lr =	simm.s32 $0x1  }
0x2: {  	[smem:$0x3F99] =	sst lr;
	_ =	strace $0xD0000000  }
0x3: {  	_ = 	snop  }
0x4: {  	_ = 	snop  }
0x5: {  	_ = 	snop  }
0x6: {  	_ = 	snop  }
0x7: {  	_ = 	snop  }
__scs_overlays_trampoline_lowered:
0x8: {  	[smem:$0x3FA8] =	sst s0  }
0x9: {  	[smem:$0x3FA9] =	sst s1  }
0xa: {  	[smem:$0x3FAA] =	sst s2  }
0xb: {  	[smem:$0x3FAB] =	sst s3  }
0xc: {  	[smem:$0x3FAC] =	sst s4  }
0xd: {  	[smem:$0x3FAD] =	sst s5  }
0xe: {  	[smem:$0x3FAE] =	sst s6  }
0xf: {  	[smem:$0x3FAF] =	sst s7  }
0x10: {  	[smem:$0x3FB0] =	sst s8  }
0x11: {  	[smem:$0x3FB1] =	sst s9;
	s0 =	simm.s32 @!p0 $0x0  }
0x12: {  	s1 =	sld [smem:$0x3F97];
	s0 =	simm.s32 @p0 $0x1  }
0x13: {  	[smem:$0x3FB2] =	sst s0;
	s0 =	simm.s32 @!p1 $0x0  }
0x14: {  	s2 =	sld [smem:$0x3F96];
	s0 =	simm.s32 @p1 $0x1  }
0x15: {  	[smem:$0x3FB3] =	sst s0;
	s0 =	simm.s32 @!p2 $0x0  }
0x16: {  	s3 =	sld [smem:$0x3FDB];
	s0 =	simm.s32 @p2 $0x1  }
0x17: {  	s4 =	simm.s32 $0x1BF5;
	[smem:$0x3FB5] =	sst s0  }
0x18: {  	s0 =	sld [smem:$0x3F98];
	_ =	swait.ge [sflag:s4], $0x0  }
0x19: {  	s7 =	sld [smem:$0x3F99]  }
0x1a: {  	s8 =	sadd.s32 $0xFFFFE003, lr  }
0x1b: {  	s9 =	sadd.s32 $0xFFFFFEF7, lr;
	s5 =	simm.s32 $0xFFFFFFFF;
	p2 =	slt.u32 s8, $0xFFFFF086  }
0x1c: {  	p1 =	slt.u32 s9, $0xF7A;
	s5 =	simm.s32 @!p2 $0x0  }
0x1d: {  	s5 =	simm.s32 @p1 $0x1;
	p0 =	seq.s32 s7, s2  }
0x1e: {  	s7 =	smul.u32 @!p0 $0xF7A, s2;
	p2 =	seq.s32 @!p0 s5, $0x0  }
0x1f: {  	s9 =	smul.u32 $0xF7A, s1;
	s8 =	simm.s32 @!p0 $0x1BF5;
	p2 =	por !p2, p0  }
0x20: {  	[sflag:s8] =	ssyncset.s32 @!p0 $0xFFFFF086;
	s6 =	sadd.s32 @!p0 s3, s7;
	s7 =	simm.s32 @!p0 $0x108  }
0x21: {  	s3 =	sadd.s32 s3, s9;
	s6 =	sadd.s32 @!p0 $0x88, s6;
	s7 =	simm.s32 @p2 $0x1082  }
0x22: {  	[simem:s7], [sflag:s8] =	dma.local @!p0 [hbm:s6], $0xF7A  }
0x23: {  	s9 =	sor.u32 $0xD0000000, s2;
	s6 =	simm.s32 $0x108;
	_ =	swait.ge @!p0 [sflag:s8], $0x0  }
0x24: {  	s3 =	sadd.s32 $0x88, s3;
	s6 =	simm.s32 @!p1 $0x1082;
	[sflag:s4] =	ssyncset.s32 $0xFFFFF086  }
0x25: {  	[simem:s6], [sflag:s4] =	dma.local [hbm:s3], $0xF7A  }
0x26: {  	[smem:$0x3F99] =	sst s1;
	(tag) =	ssettag s2;
	_ =	strace s9  }
0x27: {  	s1 =	sld [smem:$0x3FA9]  }
0x28: {  	s2 =	sld [smem:$0x3FAA]  }
0x29: {  	s4 =	sld [smem:$0x3FAC]  }
0x2a: {  	p0 =	seq.s32 s5, $0x0;
	s5 =	sld [smem:$0x3FAD]  }
0x2b: {  	s6 =	sld [smem:$0x3FAE]  }
0x2c: {  	s7 =	sld [smem:$0x3FAF]  }
0x2d: {  	s3 =	simm.s32 $0x108;
	s8 =	sld [smem:$0x3FB0]  }
0x2e: {  	s3 =	simm.s32 @!p0 $0x1082;
	s9 =	sld [smem:$0x3FB1]  }
0x2f: {  	lr =	sadd.s32 s0, s3;
	s0 =	sld [smem:$0x3FA8]  }
0x30: {  	s3 =	sld [smem:$0x3FAB]  }
0x31: {  	[smem:$0x3FB4] =	sst s10  }
0x32: {  	s10 =	sld [smem:$0x3FB2];
	_ =	sdelay $0x3  }
0x33: {  	p0 =	seq.s32 s10, $0x1;
	s10 =	sld [smem:$0x3FB4];
	_ =	sdelay $0x3  }
0x34: {  	[smem:$0x3FB4] =	sst s10  }
0x35: {  	s10 =	sld [smem:$0x3FB3];
	_ =	sdelay $0x3  }
0x36: {  	p1 =	seq.s32 s10, $0x1;
	s10 =	sld [smem:$0x3FB4];
	_ =	sdelay $0x3  }
0x37: {  	[smem:$0x3FB4] =	sst s10  }
0x38: {  	s10 =	sld [smem:$0x3FB5]  }
0x39: {  	_ = 	snop;
	(pc) =	sbr.ind lr, $3  }
0x3a: {  	_ = 	snop  }
0x3b: {  	_ = 	snop  }
0x3c: {  	p2 =	seq.s32 s10, $0x1;
	s10 =	sld [smem:$0x3FB4]  }
0x3d: {  	_ =	shalt  }
0x3e: {  	_ =	shalt  }
0x3f: {  	_ =	shalt  }
0x40: {  	_ =	shalt  }
0x41: {  	_ =	shalt  }
0x42: {  	_ =	shalt  }
0x43: {  	_ =	shalt  }
0x44: {  	_ =	shalt  }
0x45: {  	_ =	shalt  }
0x46: {  	_ =	shalt  }
0x47: {  	_ =	shalt  }
0x48: {  	_ =	shalt  }
0x49: {  	_ =	shalt  }
0x4a: {  	_ =	shalt  }
0x4b: {  	_ =	shalt  }
0x4c: {  	_ =	shalt  }
0x4d: {  	_ =	shalt  }
0x4e: {  	_ =	shalt  }
0x4f: {  	_ =	shalt  }
0x50: {  	_ =	shalt  }
0x51: {  	_ =	shalt  }
0x52: {  	_ =	shalt  }
0x53: {  	_ =	shalt  }
0x54: {  	_ =	shalt  }
0x55: {  	_ =	shalt  }
0x56: {  	_ =	shalt  }
0x57: {  	_ =	shalt  }
0x58: {  	_ =	shalt  }
0x59: {  	_ =	shalt  }
0x5a: {  	_ =	shalt  }
0x5b: {  	_ =	shalt  }
0x5c: {  	_ =	shalt  }
0x5d: {  	_ =	shalt  }
0x5e: {  	_ =	shalt  }
0x5f: {  	_ =	shalt  }
0x60: {  	_ =	shalt  }
0x61: {  	_ =	shalt  }
0x62: {  	_ =	shalt  }
0x63: {  	_ =	shalt  }
0x64: {  	_ =	shalt  }
0x65: {  	_ =	shalt  }
0x66: {  	_ =	shalt  }
0x67: {  	_ =	shalt  }
0x68: {  	_ =	shalt  }
0x69: {  	_ =	shalt  }
0x6a: {  	_ =	shalt  }
0x6b: {  	_ =	shalt  }
0x6c: {  	_ =	shalt  }
0x6d: {  	_ =	shalt  }
0x6e: {  	_ =	shalt  }
0x6f: {  	_ =	shalt  }
0x70: {  	_ =	shalt  }
0x71: {  	_ =	shalt  }
0x72: {  	_ =	shalt  }
0x73: {  	_ =	shalt  }
0x74: {  	_ =	shalt  }
0x75: {  	_ =	shalt  }
0x76: {  	_ =	shalt  }
0x77: {  	_ =	shalt  }
0x78: {  	_ =	shalt  }
0x79: {  	_ =	shalt  }
0x7a: {  	_ =	shalt  }
0x7b: {  	_ =	shalt  }
0x7c: {  	_ =	shalt  }
0x7d: {  	_ =	shalt  }
0x7e: {  	_ =	shalt  }
0x7f: {  	_ =	shalt  }
0x80: {  	_ =	shalt  }
0x81: {  	_ =	shalt  }
0x82: {  	_ =	shalt  }
0x83: {  	_ =	shalt  }
0x84: {  	_ =	shalt  }
0x85: {  	_ =	shalt  }
0x86: {  	_ =	shalt  }
0x87: {  	_ =	shalt  }
.Lfunc_end0:
.L_simem_size_0:
called_computation.2_lowered:
.L_overlay_start_0:
0x88: {  	s2 =	sld [smem:$0x3FD9]  }
0x89: {  	s3 =	sld [smem:$0x3FFE];
	_ =	sdelay $0x1  }
0x8a: {  	s1 =	srdreg.scid  }
0x8b: {  	s0 =	sand.u32 $0x1, s1  }
0x8c: {  	s14 =	sshll.u32 s0, $0xA;
	s2 =	sadd.s32 s3, s2  }
0x8d: {  	s2 =	sadd.s32 s2, s14  }
0x8e: {  	[smem:$0x3FC0] =	sst s2  }
0x8f: {  	_ = 	snop  }
0x90: {  	s2 =	sld [smem:$0x3FD0];
	_ =	sdelay $0x2  }
0x91: {  	s15 =	simm.s32 $0xA;
	s4 =	simm.s32 $0x10  }
0x92: {  	[smem:s4], [sflag:s15] =	dma.local [hbm:s2], $0x1  }
0x93: {  	_ =	swait.eq [sflag:s15], $0x1  }
0x94: {  	[sflag:s15] =	ssyncset.done $0x0  }
0x95: {  	[sflag:s15] =	ssyncadd.s32 $0xFFFFFFFF  }
0x96: {  	s16 =	sld [smem:$0x11];
	(tm) =	ssettm $0x1  }
0x97: {  	s17 =	sld [smem:$0x3FFB];
	_ =	sdelay $0x3  }
0x98: {  	_ =	strace s17  }
0x99: {  	s3 =	sld [smem:$0x3FFC];
	_ =	sdelay $0x3  }
0x9a: {  	_ =	strace s3  }
0x9b: {  	s3 =	sld [smem:$0x3FFD];
	_ =	sdelay $0x3  }
0x9c: {  	_ =	strace s3  }
0x9d: {  	_ =	strace $0x8FFFFFFF  }
0x9e: {  	s18 =	sld [smem:$0x3FDB];
	_ =	sdelay $0x1  }
0x9f: {  	s19 =	simm.s32 $_scs_section_size  }
0xa0: {  	s5 =	simm.s32 $_size__tile_overlayer_lowered;
	s6 =	simm.s32 $_tile_overlayer_lowered  }
0xa1: {  	s22 =	simm.s32 $0x1BFF;
	s21 =	sshll.u32 s6, $0x1;
	s3 =	sadd.s32 s19, s18  }
0xa2: {  	s7 =	simm.s32 $0x0;
	s20 =	sshll.u32 s5, $0x1;
	s5 =	sadd.s32 s21, s3  }
0xa3: {  	[timem:s7], [sflag:s22] =	dma.local [hbm:s5], s20  }
0xa4: {  	_ =	swait.ge [sflag:s22], s20  }
0xa5: {  	s4 =	ssub.s32 $0x0, s20;
	[sflag:s22] =	ssyncset.done $0x0  }
0xa6: {  	[sflag:s22] =	ssyncadd.s32 s4;
	_ =	sdelay $0x1  }
0xa7: {  	s23 =	simm.s32 $0x1B8B  }
0xa8: {  	_ =	swait.ge [sflag:s23], $0x1  }
0xa9: {  	[sflag:s23] =	ssyncset.done $0x0  }
0xaa: {  	s25 =	simm.s32 $0x1B8E;
	s24 =	sld [smem:$0x3FFE];
	[sflag:s23] =	ssyncadd.s32 $0xFFFFFFFF  }
0xab: {  	s26 =	simm.s32 $execute0_lowered;
	[smem:$0x3FD2] =	sst s25  }
0xac: {  	s5 =	sshll.u32 s26, $0x1;
	_ =	strace $0x8000004C;
	[dreg:$0x1] =	wrdreg $0xFFFFFFFF  }
0xad: {  	s28 =	simm.s32 $_size_execute0_lowered;
	s3 =	sadd.s32 s3, s5;
	[dreg:$0x0] =	wrdreg $0x0  }
0xae: {  	s5 =	sshll.u32 s28, $0x1;
	[dreg:$0x2] =	wrdreg s3  }
0xaf: {  	[dreg:$0x3] =	wrdreg s5  }
0xb0: {  	[dreg:$0x4] =	wrdreg $0xC0  }
0xb1: {  	_ =	task [dreg:s7], $0x5FFFF  }
0xb2: {  	[dreg:$0x1] =	wrdreg $0xFFFFFFFF  }
0xb3: {  	[dreg:$0x0] =	wrdreg $0x60  }
0xb4: {  	[dreg:$0x2] =	wrdreg s24  }
0xb5: {  	[dreg:$0x3] =	wrdreg s16  }
0xb6: {  	[dreg:$0x4] =	wrdreg $0x120000  }
0xb7: {  	[dreg:$0x5] =	wrdreg $0xD0000  }
0xb8: {  	[dreg:$0x6] =	wrdreg $0x9  }
0xb9: {  	_ =	task.clear_ibuf [dreg:s7], $0x7FFFF;
	_ =	strace $0x9000004C  }
0xba: {  	s29 =	simm.s32 $0x9;
	_ =	strace $0x8000004E  }
0xbb: {  	_ =	swait.ge [sflag:s29], $0x1  }
0xbc: {  	[sflag:s29] =	ssyncadd.s32 $0xFFFFFFFF  }
0xbd: {  	_ =	strace $0x9000004E  }
0xbe: {  	_ =	sfence  }
0xbf: {  	s30 =	sld [smem:$0x0];
	_ =	sdelay $0x2  }
0xc0: {  	s31 =	sshll.u32 s1, $0xD;
	s1 =	sshrl.u32 s1, $0x2  }
0xc1: {  	s3 =	sand.u32 $0x4000, s31;
	s1 =	sadd.s32 s1, s30  }
0xc2: {  	s0 =	sor.u32 s3, s0;
	s1 =	sshll.u32 s1, $0x11  }
0xc3: {  	s0 =	sor.u32 s1, s0  }
0xc4: {  	s0 =	sadd.s32 $0x8F2B, s0  }
0xc5: {  	[sflag:s0] =	ssyncadd.remote.s32 $0x1  }
0xc6: {  	_ =	sfence.sel $0xFFFF  }
0xc7: {  	[dreg:$0x0] =	wrdreg $0xFFFFFFFF;
	(pc) =	sbr.abs _section_cstart, $3  }
0xc8: {  	[dreg:$0x1] =	wrdreg $0xFFFFFFFF  }
0xc9: {  	_ =	task.clear_ibuf [dreg:s7], $0x2FFFF;
	_ =	strace $0x9FFFFFFF  }
0xca: {  	(tm) =	ssettm $0x7FFFFFFF  }
0xcb: {  	_ =	shalt  }
tec
execute0_lowered:
.L_overlay_start_1:
0x0: {  	(tag) =	ssettag $0x1  }
0x1: {  	s0 =	rddreg [dreg:$0x0]  }
0x2: {  	s1 =	rddreg [dreg:$0x1]  }
0x3: {  	s2 =	rddreg [dreg:$0x2]  }
0x4: {  	s3 =	rddreg [dreg:$0x3]  }
0x5: {  	s12 =	stileid.u32;
	s5 =	srdreg.scid;
	s4 =	simm.s32 $0x0  }
0x6: {  	s15 =	simm.s32 $0x80;
	s16 =	simm.s32 $0x5000;
	s17 =	simm.s32 $0x6000  }
0x7: {  	s19 =	simm.s32 $0x7000;
	s21 =	simm.s32 $0x8000;
	s22 =	simm.s32 $0x1  }
0x8: {  	s28 =	simm.s32 $0x2;
	s29 =	simm.s32 $0x3;
	s30 =	simm.s32 $0x4  }
0x9: {  	s31 =	simm.s32 $0x0;
	s8 =	smul.u32 $0x5000, s12;
	s5 =	sand.u32 $0x1, s5  }
0xa: {  	[smem:$0x7FF] =	sst s4;
	s26 =	sshll.u32 s12, $0x6;
	s6 =	sshll.u32 s5, $0x4  }
0xb: {  	s7 =	smul.u32 $0x50000, s5;
	_ =	strace $0x8000004D;
	s5 =	ssub.s32 $0x2, s5  }
0xc: {  	s6 =	sor.u32 s12, s6;
	s9 =	sshrl.u32 s8, $0x3;
	s23 =	sshrl.u32 s5, $0x1  }
0xd: {  	s25 =	sadd.s32 s8, s2;
	s14 =	sadd.s32 s8, s3;
	s12 =	sor.u32 $0x1C05, s26  }
0xe: {  	s26 =	simm.s32 $0xC000;
	s6 =	smul.u32 $0x500, s6;
	s7 =	sadd.s32 s8, s7  }
0xf: {  	s9 =	sadd.s32 s9, s0;
	s11 =	ssub.s32 s5, s23;
	s13 =	sshrl.u32 s25, $0x3  }
0x10: {  	s14 =	sshrl.u32 s14, $0x3;
	s23 =	simm.s32 $0x9000;
	s7 =	sshrl.u32 s7, $0x3  }
0x11: {  	s25 =	simm.s32 $0xB000;
	s10 =	sadd.s32 s6, s0;
	s0 =	sadd.s32 s7, s0  }
0x12: {  	s1 =	sadd.s32 s1, s6;
	s7 =	sadd.s32 $0x1A00, s9;
	s9 =	smax.u32 s11, $0x1  }
0x13: {  	s24 =	sadd.s32 $0xBA00, s10;
	[dreg:$0x6] =	wrdreg s1;
	s8 =	sadd.s32 $0x15A00, s0  }
0x14: {  	s10 =	simm.s32 $0x5;
	[dreg:$0x5] =	wrdreg s24;
	s24 =	simm.s32 $0xA000  }
.LBB2_1:
0x15: {  	s0 =	rddreg [dreg:$0x5]  }
0x16: {  	[tilespmem:s4], [sflag:$0x5] =	stream.linear.gather [hbm4b:s0+s4], $0x2800, $0x38;
	[tilespmem:$0x17000] =	vst v63  }
0x17: {  	_ =	swait.ge [sflag:s10], $0x2800  }
0x18: {  	[sflag:s10] =	ssyncset.done $0x0  }
0x19: {  	s1 =	simm.s32 $0x2800;
	s18 =	rddreg [dreg:$0x6];
	[sflag:s10] =	ssyncadd.s32 $0xFFFFD800  }
0x1a: {  	[tilespmem:s1], [sflag:$0x5] =	stream.linear.gather [hbm4b:s18+s4], $0x2800, $0x38;
	[tilespmem:$0x17000] =	vst v63  }
0x1b: {  	_ =	swait.ge [sflag:s10], $0x2800  }
0x1c: {  	[sflag:s10] =	ssyncset.done $0x0  }
0x1d: {  	[sflag:s10] =	ssyncadd.s32 $0xFFFFD800  }
0x1e: {  	[spmem:s13], [sflag:s12] =	dma.local [hbm:s7], $0xA00  }
0x1f: {  	_ =	swait.ge [sflag:s10], $0xA00  }
0x20: {  	[sflag:s10] =	ssyncset.done $0x0  }
0x21: {  	[sflag:s10] =	ssyncadd.s32 $0xFFFFF600  }
0x22: {  	[spmem:s14], [sflag:s12] =	dma.local [hbm:s7], $0xA00  }
0x23: {  	_ =	swait.ge [sflag:s10], $0xA00  }
0x24: {  	[sflag:s10] =	ssyncset.done $0x0  }
0x25: {  	[sflag:s10] =	ssyncadd.s32 $0xFFFFF600  }
0x26: {  	[bflag:$0x0] =	sbarrier.arrive $0xFFFF  }
0x27: {  	[tilespmem:s16], [sflag:$0x1] =	stream.indirect.gather [spmem:s2], $0x20, s4, s15, $0xb8;
	[tilespmem:$0x17000] =	vst v63  }
0x28: {  	_ = 	snop  }
0x29: {  	[tilespmem:s17], [sflag:$0x1] =	stream.indirect.gather [spmem:s2], $0x20, s15, s15, $0xb8;
	[tilespmem:$0x17000] =	vst v63  }
0x2a: {  	s20 =	simm.s32 $0x100  }
0x2b: {  	[tilespmem:s19], [sflag:$0x1] =	stream.indirect.gather [spmem:s2], $0x20, s20, s15, $0xb8;
	[tilespmem:$0x17000] =	vst v63  }
0x2c: {  	s1 =	simm.s32 $0x180  }
0x2d: {  	[tilespmem:s21], [sflag:$0x1] =	stream.indirect.gather [spmem:s2], $0x20, s1, s15, $0xb8;
	[tilespmem:$0x17000] =	vst v63  }
0x2e: {  	_ =	swait.ge [sflag:s22], $0x1000  }
0x2f: {  	[sflag:s22] =	ssyncset.done $0x0  }
0x30: {  	[sflag:s22] =	ssyncadd.s32 $0xFFFFF000  }
0x31: {  	_ =	swait.ge [sflag:s22], $0x1000  }
0x32: {  	[sflag:s22] =	ssyncset.done $0x0  }
0x33: {  	[sflag:s22] =	ssyncadd.s32 $0xFFFFF000  }
0x34: {  	_ =	swait.ge [sflag:s22], $0x1000  }
0x35: {  	[sflag:s22] =	ssyncset.done $0x0  }
0x36: {  	[sflag:s22] =	ssyncadd.s32 $0xFFFFF000  }
0x37: {  	_ =	swait.ge [sflag:s22], $0x1000  }
0x38: {  	p0 =	por $0x1, $0x1;
	[sflag:s22] =	ssyncset.done $0x0  }
0x39: {  	s0 =	simm.s32 @!p0 $0x4;
	[sflag:s22] =	ssyncadd.s32 $0xFFFFF000  }
0x3a: {  	_ =	swait.ge @!p0 [sflag:s0], $0x1000  }
0x3b: {  	[sflag:s0] =	ssyncset.done @!p0 $0x0  }
0x3c: {  	[sflag:s0] =	ssyncadd.s32 @!p0 $0xFFFFF000  }
0x3d: {  	_ =	swait.ge @!p0 [sflag:s0], $0x1000  }
0x3e: {  	[sflag:s0] =	ssyncset.done @!p0 $0x0  }
0x3f: {  	[sflag:s0] =	ssyncadd.s32 @!p0 $0xFFFFF000  }
0x40: {  	_ =	swait.ge @!p0 [sflag:s0], $0x1000  }
0x41: {  	[sflag:s0] =	ssyncset.done @!p0 $0x0  }
0x42: {  	[sflag:s0] =	ssyncadd.s32 @!p0 $0xFFFFF000  }
0x43: {  	_ =	swait.ge @!p0 [sflag:s0], $0x1000  }
0x44: {  	[sflag:s0] =	ssyncset.done @!p0 $0x0  }
0x45: {  	s5 =	simm.s32 $0x200;
	[sflag:s0] =	ssyncadd.s32 @!p0 $0xFFFFF000  }
0x46: {  	[tilespmem:s23], [sflag:$0x2] =	stream.indirect.gather [spmem:s2], $0x20, s5, s15, $0xb8;
	[tilespmem:$0x17000] =	vst v63  }
0x47: {  	s6 =	simm.s32 $0x280  }
0x48: {  	[tilespmem:s24], [sflag:$0x2] =	stream.indirect.gather [spmem:s2], $0x20, s6, s15, $0xb8;
	[tilespmem:$0x17000] =	vst v63  }
0x49: {  	s11 =	simm.s32 $0x300  }
0x4a: {  	[tilespmem:s25], [sflag:$0x2] =	stream.indirect.gather [spmem:s2], $0x20, s11, s15, $0xb8;
	[tilespmem:$0x17000] =	vst v63  }
0x4b: {  	s18 =	simm.s32 $0x380  }
0x4c: {  	[tilespmem:s26], [sflag:$0x2] =	stream.indirect.gather [spmem:s2], $0x20, s18, s15, $0xb8;
	[tilespmem:$0x17000] =	vst v63  }
0x4d: {  	s20 =	simm.s32 $0x2800  }
0x4e: {  	[spmem:s3] =	stream.indirect.scatter.add.f32 [tilespmem:s16], [sflag:$0x3], $0x20, s20, s15, $0xb8;
	[tilespmem:$0x17000] =	vst v63  }
0x4f: {  	s1 =	simm.s32 $0x2880  }
0x50: {  	[spmem:s3] =	stream.indirect.scatter.add.f32 [tilespmem:s17], [sflag:$0x3], $0x20, s1, s15, $0xb8;
	[tilespmem:$0x17000] =	vst v63  }
0x51: {  	s5 =	simm.s32 $0x2900  }
0x52: {  	[spmem:s3] =	stream.indirect.scatter.add.f32 [tilespmem:s19], [sflag:$0x3], $0x20, s5, s15, $0xb8;
	[tilespmem:$0x17000] =	vst v63  }
0x53: {  	s6 =	simm.s32 $0x2980  }
0x54: {  	[spmem:s3] =	stream.indirect.scatter.add.f32 [tilespmem:s21], [sflag:$0x3], $0x20, s6, s15, $0xb8;
	[tilespmem:$0x17000] =	vst v63  }
0x55: {  	_ =	swait.ge [sflag:s28], $0x1000  }
0x56: {  	[sflag:s28] =	ssyncset.done $0x0  }
0x57: {  	[sflag:s28] =	ssyncadd.s32 $0xFFFFF000  }
0x58: {  	_ =	swait.ge [sflag:s28], $0x1000  }
0x59: {  	[sflag:s28] =	ssyncset.done $0x0  }
0x5a: {  	[sflag:s28] =	ssyncadd.s32 $0xFFFFF000  }
0x5b: {  	_ =	swait.ge [sflag:s28], $0x1000  }
0x5c: {  	[sflag:s28] =	ssyncset.done $0x0  }
0x5d: {  	[sflag:s28] =	ssyncadd.s32 $0xFFFFF000  }
0x5e: {  	_ =	swait.ge [sflag:s28], $0x1000  }
0x5f: {  	[sflag:s28] =	ssyncset.done $0x0  }
0x60: {  	[sflag:s28] =	ssyncadd.s32 $0xFFFFF000  }
0x61: {  	_ =	swait.ge [sflag:s29], $0x1000  }
0x62: {  	[sflag:s29] =	ssyncset.done $0x0  }
0x63: {  	[sflag:s29] =	ssyncadd.s32 $0xFFFFF000  }
0x64: {  	_ =	swait.ge [sflag:s29], $0x1000  }
0x65: {  	[sflag:s29] =	ssyncset.done $0x0  }
0x66: {  	[sflag:s29] =	ssyncadd.s32 $0xFFFFF000  }
0x67: {  	_ =	swait.ge [sflag:s29], $0x1000  }
0x68: {  	[sflag:s29] =	ssyncset.done $0x0  }
0x69: {  	[sflag:s29] =	ssyncadd.s32 $0xFFFFF000  }
0x6a: {  	p0 =	por $0x0, $0x0;
	_ =	swait.ge [sflag:s29], $0x1000  }
0x6b: {  	s0 =	simm.s32 @!p0 $0x5000;
	[sflag:s29] =	ssyncset.done $0x0  }
0x6c: {  	s11 =	simm.s32 @!p0 $0x80;
	s1 =	simm.s32 @!p0 $0x400;
	[sflag:s29] =	ssyncadd.s32 $0xFFFFF000  }
0x6d: {  	[tilespmem:s0], [sflag:$0x1] =	stream.indirect.gather @!p0 [spmem:s2], $0x20, s1, s11, $0xb8;
	[tilespmem:$0x17000] =	vst v63  }
0x6e: {  	s0 =	simm.s32 @!p0 $0x480;
	s1 =	simm.s32 @!p0 $0x6000  }
0x6f: {  	[tilespmem:s1], [sflag:$0x1] =	stream.indirect.gather @!p0 [spmem:s2], $0x20, s0, s11, $0xb8;
	[tilespmem:$0x17000] =	vst v63  }
0x70: {  	s0 =	simm.s32 @!p0 $0x500;
	s1 =	simm.s32 @!p0 $0x7000  }
0x71: {  	[tilespmem:s1], [sflag:$0x1] =	stream.indirect.gather @!p0 [spmem:s2], $0x20, s0, s11, $0xb8;
	[tilespmem:$0x17000] =	vst v63  }
0x72: {  	s0 =	simm.s32 @!p0 $0x580;
	s1 =	simm.s32 @!p0 $0x8000  }
0x73: {  	[tilespmem:s1], [sflag:$0x1] =	stream.indirect.gather @!p0 [spmem:s2], $0x20, s0, s11, $0xb8;
	[tilespmem:$0x17000] =	vst v63  }
0x74: {  	s11 =	simm.s32 $0x2A00  }
0x75: {  	[spmem:s3] =	stream.indirect.scatter.add.f32 [tilespmem:s23], [sflag:$0x4], $0x20, s11, s15, $0xb8;
	[tilespmem:$0x17000] =	vst v63  }
0x76: {  	s18 =	simm.s32 $0x2A80  }
0x77: {  	[spmem:s3] =	stream.indirect.scatter.add.f32 [tilespmem:s24], [sflag:$0x4], $0x20, s18, s15, $0xb8;
	[tilespmem:$0x17000] =	vst v63  }
0x78: {  	s20 =	simm.s32 $0x2B00;
	s0 =	simm.s32 $0x1000;
	s1 =	simm.s32 $0x2B80  }
0x79: {  	[spmem:s3] =	stream.indirect.scatter.add.f32 [tilespmem:s25], [sflag:$0x4], $0x20, s20, s15, $0xb8;
	[tilespmem:$0x17000] =	vst v63  }
.LBB2_2:
0x7a: {  	[spmem:s3] =	stream.indirect.scatter.add.f32 [tilespmem:s26], [sflag:$0x4], $0x20, s1, s15, $0xb8;
	[tilespmem:$0x17000] =	vst v63  }
0x7b: {  	s1 =	smov.u32 s0;
	s0 =	sadd.s32 $0x1000, s0;
	_ =	swait.ge [sflag:s22], $0x1000  }
0x7c: {  	p0 =	sne.s32 s0, $0xA000;
	[sflag:s22] =	ssyncset.done $0x0  }
0x7d: {  	[sflag:s22] =	ssyncadd.s32 $0xFFFFF000  }
0x7e: {  	_ =	swait.ge [sflag:s22], $0x1000  }
0x7f: {  	[sflag:s22] =	ssyncset.done $0x0  }
0x80: {  	[sflag:s22] =	ssyncadd.s32 $0xFFFFF000  }
0x81: {  	_ =	swait.ge [sflag:s22], $0x1000  }
0x82: {  	[sflag:s22] =	ssyncset.done $0x0  }
0x83: {  	[sflag:s22] =	ssyncadd.s32 $0xFFFFF000  }
0x84: {  	_ =	swait.ge [sflag:s22], $0x1000  }
0x85: {  	p1 =	seq.s32 s1, $0x0;
	[sflag:s22] =	ssyncset.done $0x0  }
0x86: {  	s18 =	simm.s32 @!p1 $0x4;
	[sflag:s22] =	ssyncadd.s32 $0xFFFFF000  }
0x87: {  	_ =	swait.ge @!p1 [sflag:s18], $0x1000  }
0x88: {  	[sflag:s18] =	ssyncset.done @!p1 $0x0  }
0x89: {  	[sflag:s18] =	ssyncadd.s32 @!p1 $0xFFFFF000  }
0x8a: {  	_ =	swait.ge @!p1 [sflag:s18], $0x1000  }
0x8b: {  	[sflag:s18] =	ssyncset.done @!p1 $0x0  }
0x8c: {  	[sflag:s18] =	ssyncadd.s32 @!p1 $0xFFFFF000  }
0x8d: {  	_ =	swait.ge @!p1 [sflag:s18], $0x1000  }
0x8e: {  	[sflag:s18] =	ssyncset.done @!p1 $0x0  }
0x8f: {  	[sflag:s18] =	ssyncadd.s32 @!p1 $0xFFFFF000  }
0x90: {  	_ =	swait.ge @!p1 [sflag:s18], $0x1000  }
0x91: {  	s11 =	sshra.s32 s1, $0x2;
	[sflag:s18] =	ssyncset.done @!p1 $0x0  }
0x92: {  	[sflag:s18] =	ssyncadd.s32 @!p1 $0xFFFFF000;
	s18 =	sadd.s32 $0x200, s11  }
0x93: {  	[tilespmem:s23], [sflag:$0x2] =	stream.indirect.gather [spmem:s2], $0x20, s18, s15, $0xb8;
	[tilespmem:$0x17000] =	vst v63  }
0x94: {  	s18 =	sadd.s32 $0x280, s11  }
0x95: {  	[tilespmem:s24], [sflag:$0x2] =	stream.indirect.gather [spmem:s2], $0x20, s18, s15, $0xb8;
	[tilespmem:$0x17000] =	vst v63  }
0x96: {  	s18 =	sadd.s32 $0x300, s11  }
0x97: {  	[tilespmem:s25], [sflag:$0x2] =	stream.indirect.gather [spmem:s2], $0x20, s18, s15, $0xb8;
	[tilespmem:$0x17000] =	vst v63  }
0x98: {  	s18 =	sadd.s32 $0x380, s11  }
0x99: {  	[tilespmem:s26], [sflag:$0x2] =	stream.indirect.gather [spmem:s2], $0x20, s18, s15, $0xb8;
	[tilespmem:$0x17000] =	vst v63  }
0x9a: {  	s18 =	sadd.s32 $0x2800, s11  }
0x9b: {  	[spmem:s3] =	stream.indirect.scatter.add.f32 [tilespmem:s16], [sflag:$0x3], $0x20, s18, s15, $0xb8;
	[tilespmem:$0x17000] =	vst v63  }
0x9c: {  	s18 =	sadd.s32 $0x2880, s11  }
0x9d: {  	[spmem:s3] =	stream.indirect.scatter.add.f32 [tilespmem:s17], [sflag:$0x3], $0x20, s18, s15, $0xb8;
	[tilespmem:$0x17000] =	vst v63  }
0x9e: {  	s18 =	sadd.s32 $0x2900, s11  }
0x9f: {  	[spmem:s3] =	stream.indirect.scatter.add.f32 [tilespmem:s19], [sflag:$0x3], $0x20, s18, s15, $0xb8;
	[tilespmem:$0x17000] =	vst v63  }
0xa0: {  	s18 =	sadd.s32 $0x2980, s11  }
0xa1: {  	[spmem:s3] =	stream.indirect.scatter.add.f32 [tilespmem:s21], [sflag:$0x3], $0x20, s18, s15, $0xb8;
	[tilespmem:$0x17000] =	vst v63  }
0xa2: {  	_ =	swait.ge [sflag:s28], $0x1000  }
0xa3: {  	[sflag:s28] =	ssyncset.done $0x0  }
0xa4: {  	[sflag:s28] =	ssyncadd.s32 $0xFFFFF000  }
0xa5: {  	_ =	swait.ge [sflag:s28], $0x1000  }
0xa6: {  	[sflag:s28] =	ssyncset.done $0x0  }
0xa7: {  	[sflag:s28] =	ssyncadd.s32 $0xFFFFF000  }
0xa8: {  	_ =	swait.ge [sflag:s28], $0x1000  }
0xa9: {  	[sflag:s28] =	ssyncset.done $0x0  }
0xaa: {  	[sflag:s28] =	ssyncadd.s32 $0xFFFFF000  }
0xab: {  	_ =	swait.ge [sflag:s28], $0x1000  }
0xac: {  	[sflag:s28] =	ssyncset.done $0x0  }
0xad: {  	[sflag:s28] =	ssyncadd.s32 $0xFFFFF000  }
0xae: {  	_ =	swait.ge [sflag:s29], $0x1000  }
0xaf: {  	[sflag:s29] =	ssyncset.done $0x0  }
0xb0: {  	[sflag:s29] =	ssyncadd.s32 $0xFFFFF000  }
0xb1: {  	_ =	swait.ge [sflag:s29], $0x1000  }
0xb2: {  	[sflag:s29] =	ssyncset.done $0x0  }
0xb3: {  	[sflag:s29] =	ssyncadd.s32 $0xFFFFF000  }
0xb4: {  	_ =	swait.ge [sflag:s29], $0x1000  }
0xb5: {  	[sflag:s29] =	ssyncset.done $0x0  }
0xb6: {  	[sflag:s29] =	ssyncadd.s32 $0xFFFFF000  }
0xb7: {  	p1 =	seq.s32 s1, $0x9000;
	_ =	swait.ge [sflag:s29], $0x1000  }
0xb8: {  	s1 =	sshra.s32 @!p1 s1, $0x2;
	s18 =	simm.s32 @!p1 $0x5000;
	[sflag:s29] =	ssyncset.done $0x0  }
0xb9: {  	s5 =	simm.s32 @!p1 $0x80;
	s20 =	sadd.s32 @!p1 $0x400, s1;
	[sflag:s29] =	ssyncadd.s32 $0xFFFFF000  }
0xba: {  	[tilespmem:s18], [sflag:$0x1] =	stream.indirect.gather @!p1 [spmem:s2], $0x20, s20, s5, $0xb8;
	[tilespmem:$0x17000] =	vst v63  }
0xbb: {  	s6 =	sadd.s32 @!p1 $0x500, s1;
	s18 =	sadd.s32 @!p1 $0x480, s1;
	s20 =	simm.s32 @!p1 $0x6000  }
0xbc: {  	[tilespmem:s20], [sflag:$0x1] =	stream.indirect.gather @!p1 [spmem:s2], $0x20, s18, s5, $0xb8;
	[tilespmem:$0x17000] =	vst v63  }
0xbd: {  	s1 =	sadd.s32 @!p1 $0x580, s1;
	s18 =	simm.s32 @!p1 $0x7000  }
0xbe: {  	[tilespmem:s18], [sflag:$0x1] =	stream.indirect.gather @!p1 [spmem:s2], $0x20, s6, s5, $0xb8;
	[tilespmem:$0x17000] =	vst v63  }
0xbf: {  	s6 =	simm.s32 @!p1 $0x8000  }
0xc0: {  	[tilespmem:s6], [sflag:$0x1] =	stream.indirect.gather @!p1 [spmem:s2], $0x20, s1, s5, $0xb8;
	[tilespmem:$0x17000] =	vst v63  }
0xc1: {  	s1 =	sadd.s32 $0x2A00, s11  }
0xc2: {  	[spmem:s3] =	stream.indirect.scatter.add.f32 [tilespmem:s23], [sflag:$0x4], $0x20, s1, s15, $0xb8;
	[tilespmem:$0x17000] =	vst v63  }
.Ltmp0:
0xc3: {  	s1 =	sadd.s32 $0x2A80, s11;
	(pc) =	sbr.rel @p0 .LBB2_2-.Ltmp0, $4  }
0xc4: {  	[spmem:s3] =	stream.indirect.scatter.add.f32 [tilespmem:s24], [sflag:$0x4], $0x20, s1, s15, $0xb8;
	[tilespmem:$0x17000] =	vst v63  }
0xc5: {  	s1 =	sadd.s32 $0x2B00, s11  }
0xc6: {  	[spmem:s3] =	stream.indirect.scatter.add.f32 [tilespmem:s25], [sflag:$0x4], $0x20, s1, s15, $0xb8;
	[tilespmem:$0x17000] =	vst v63  }
0xc7: {  	s1 =	sadd.s32 $0x2B80, s11  }
0xc8: {  	[spmem:s3] =	stream.indirect.scatter.add.f32 [tilespmem:s26], [sflag:$0x4], $0x20, s1, s15, $0xb8;
	[tilespmem:$0x17000] =	vst v63  }
0xc9: {  	_ =	swait.ge [sflag:s30], $0x1000  }
0xca: {  	[sflag:s30] =	ssyncset.done $0x0  }
0xcb: {  	[sflag:s30] =	ssyncadd.s32 $0xFFFFF000  }
0xcc: {  	_ =	swait.ge [sflag:s30], $0x1000  }
0xcd: {  	[sflag:s30] =	ssyncset.done $0x0  }
0xce: {  	[sflag:s30] =	ssyncadd.s32 $0xFFFFF000  }
0xcf: {  	_ =	swait.ge [sflag:s30], $0x1000  }
0xd0: {  	[sflag:s30] =	ssyncset.done $0x0  }
0xd1: {  	[sflag:s30] =	ssyncadd.s32 $0xFFFFF000  }
0xd2: {  	_ =	swait.ge [sflag:s30], $0x1000  }
0xd3: {  	s31 =	sadd.s32 $0x1, s31;
	[sflag:s30] =	ssyncset.done $0x0  }
0xd4: {  	p0 =	sne.s32 s31, s9;
	[sflag:s30] =	ssyncadd.s32 $0xFFFFF000  }
.Ltmp1:
0xd5: {  	[bflag:$0x0] =	sbarrier.arrive $0xFFFF;
	(pc) =	sbr.rel @p0 .LBB2_1-.Ltmp1, $4  }
0xd6: {  	[hbm:s8], [sflag:s12] =	dma.local [spmem:s14], $0xA00  }
0xd7: {  	_ =	swait.ge [sflag:s10], $0xA00  }
0xd8: {  	[sflag:s10] =	ssyncset.done $0x0  }
0xd9: {  	[sflag:s10] =	ssyncadd.s32 $0xFFFFF600  }
0xda: {  	_ =	sfence.sel $0x180000  }
0xdb: {  	[bflag:$0x0] =	sbarrier.arrive $0xFFFF  }
0xdc: {  	_ =	strace $0x9000004D  }
0xdd: {  	s0 =	stileid.u32;
	[bflag:$0x2] =	sbarrier.arrive $0xFFFF  }
0xde: {  	p0 =	sne.s32 s0, $0x0;
	s0 =	rddreg [dreg:$0x4]  }
0xdf: {  	s0 =	sadd.s32 @!p0 $0x100000, s0  }
0xe0: {  	[sflag:s0] =	ssyncadd.tile.s32 @!p0 $0x1;
	_ =	shalt  }
.Lfunc_end2:
_tile_overlayer_lowered:
.L_overlay_start_2:
0xe1: {  	(tag) =	ssettag $0x2  }
0xe2: {  	s0 =	rddreg [dreg:$0x0];
	s2 =	stileid.u32  }
0xe3: {  	s1 =	rddreg [dreg:$0x1];
	p0 =	sne.s32 s2, $0x0  }
0xe4: {  	s3 =	rddreg [dreg:$0x2];
	[bflag:$0x3] =	sbarrier.arrive $0xFFFF;
	s2 =	simm.s32 @!p0 $0x1C05  }
0xe5: {  	[timem:s3], [sflag:s2] =	dma.local @!p0 [hbm:s0], s1  }
0xe6: {  	s0 =	simm.s32 @!p0 $0x5  }
0xe7: {  	_ =	swait.ge @!p0 [sflag:s0], s1  }
0xe8: {  	s1 =	ssub.s32 @!p0 $0x0, s1;
	[sflag:s0] =	ssyncset.done @!p0 $0x0  }
0xe9: {  	[sflag:s0] =	ssyncadd.s32 @!p0 s1  }
0xea: {  	[bflag:$0x3] =	sbarrier.arrive $0xFFFF  }
0xeb: {  	_ =	shalt  }

// kernel: kernel.9.cloned.1.call-start
scs
__scs_entry_jumppad:
0x0: {  	(pc) =	sbr.rel $0x88, $3  }
0x1: {  	(tag) =	ssettag $0x0;
	lr =	simm.s32 $0x1  }
0x2: {  	[smem:$0x3F99] =	sst lr;
	_ =	strace $0xD0000000  }
0x3: {  	_ = 	snop  }
0x4: {  	_ = 	snop  }
0x5: {  	_ = 	snop  }
0x6: {  	_ = 	snop  }
0x7: {  	_ = 	snop  }
__scs_overlays_trampoline_lowered:
0x8: {  	[smem:$0x3FA8] =	sst s0  }
0x9: {  	[smem:$0x3FA9] =	sst s1  }
0xa: {  	[smem:$0x3FAA] =	sst s2  }
0xb: {  	[smem:$0x3FAB] =	sst s3  }
0xc: {  	[smem:$0x3FAC] =	sst s4  }
0xd: {  	[smem:$0x3FAD] =	sst s5  }
0xe: {  	[smem:$0x3FAE] =	sst s6  }
0xf: {  	[smem:$0x3FAF] =	sst s7  }
0x10: {  	[smem:$0x3FB0] =	sst s8  }
0x11: {  	[smem:$0x3FB1] =	sst s9;
	s0 =	simm.s32 @!p0 $0x0  }
0x12: {  	s1 =	sld [smem:$0x3F97];
	s0 =	simm.s32 @p0 $0x1  }
0x13: {  	[smem:$0x3FB2] =	sst s0;
	s0 =	simm.s32 @!p1 $0x0  }
0x14: {  	s2 =	sld [smem:$0x3F96];
	s0 =	simm.s32 @p1 $0x1  }
0x15: {  	[smem:$0x3FB3] =	sst s0;
	s0 =	simm.s32 @!p2 $0x0  }
0x16: {  	s3 =	sld [smem:$0x3FDB];
	s0 =	simm.s32 @p2 $0x1  }
0x17: {  	s4 =	simm.s32 $0x1BF5;
	[smem:$0x3FB5] =	sst s0  }
0x18: {  	s0 =	sld [smem:$0x3F98];
	_ =	swait.ge [sflag:s4], $0x0  }
0x19: {  	s7 =	sld [smem:$0x3F99]  }
0x1a: {  	s8 =	sadd.s32 $0xFFFFE003, lr  }
0x1b: {  	s9 =	sadd.s32 $0xFFFFFEF7, lr;
	s5 =	simm.s32 $0xFFFFFFFF;
	p2 =	slt.u32 s8, $0xFFFFF086  }
0x1c: {  	p1 =	slt.u32 s9, $0xF7A;
	s5 =	simm.s32 @!p2 $0x0  }
0x1d: {  	s5 =	simm.s32 @p1 $0x1;
	p0 =	seq.s32 s7, s2  }
0x1e: {  	s7 =	smul.u32 @!p0 $0xF7A, s2;
	p2 =	seq.s32 @!p0 s5, $0x0  }
0x1f: {  	s9 =	smul.u32 $0xF7A, s1;
	s8 =	simm.s32 @!p0 $0x1BF5;
	p2 =	por !p2, p0  }
0x20: {  	[sflag:s8] =	ssyncset.s32 @!p0 $0xFFFFF086;
	s6 =	sadd.s32 @!p0 s3, s7;
	s7 =	simm.s32 @!p0 $0x108  }
0x21: {  	s3 =	sadd.s32 s3, s9;
	s6 =	sadd.s32 @!p0 $0x88, s6;
	s7 =	simm.s32 @p2 $0x1082  }
0x22: {  	[simem:s7], [sflag:s8] =	dma.local @!p0 [hbm:s6], $0xF7A  }
0x23: {  	s9 =	sor.u32 $0xD0000000, s2;
	s6 =	simm.s32 $0x108;
	_ =	swait.ge @!p0 [sflag:s8], $0x0  }
0x24: {  	s3 =	sadd.s32 $0x88, s3;
	s6 =	simm.s32 @!p1 $0x1082;
	[sflag:s4] =	ssyncset.s32 $0xFFFFF086  }
0x25: {  	[simem:s6], [sflag:s4] =	dma.local [hbm:s3], $0xF7A  }
0x26: {  	[smem:$0x3F99] =	sst s1;
	(tag) =	ssettag s2;
	_ =	strace s9  }
0x27: {  	s1 =	sld [smem:$0x3FA9]  }
0x28: {  	s2 =	sld [smem:$0x3FAA]  }
0x29: {  	s4 =	sld [smem:$0x3FAC]  }
0x2a: {  	p0 =	seq.s32 s5, $0x0;
	s5 =	sld [smem:$0x3FAD]  }
0x2b: {  	s6 =	sld [smem:$0x3FAE]  }
0x2c: {  	s7 =	sld [smem:$0x3FAF]  }
0x2d: {  	s3 =	simm.s32 $0x108;
	s8 =	sld [smem:$0x3FB0]  }
0x2e: {  	s3 =	simm.s32 @!p0 $0x1082;
	s9 =	sld [smem:$0x3FB1]  }
0x2f: {  	lr =	sadd.s32 s0, s3;
	s0 =	sld [smem:$0x3FA8]  }
0x30: {  	s3 =	sld [smem:$0x3FAB]  }
0x31: {  	[smem:$0x3FB4] =	sst s10  }
0x32: {  	s10 =	sld [smem:$0x3FB2];
	_ =	sdelay $0x3  }
0x33: {  	p0 =	seq.s32 s10, $0x1;
	s10 =	sld [smem:$0x3FB4];
	_ =	sdelay $0x3  }
0x34: {  	[smem:$0x3FB4] =	sst s10  }
0x35: {  	s10 =	sld [smem:$0x3FB3];
	_ =	sdelay $0x3  }
0x36: {  	p1 =	seq.s32 s10, $0x1;
	s10 =	sld [smem:$0x3FB4];
	_ =	sdelay $0x3  }
0x37: {  	[smem:$0x3FB4] =	sst s10  }
0x38: {  	s10 =	sld [smem:$0x3FB5]  }
0x39: {  	_ = 	snop;
	(pc) =	sbr.ind lr, $3  }
0x3a: {  	_ = 	snop  }
0x3b: {  	_ = 	snop  }
0x3c: {  	p2 =	seq.s32 s10, $0x1;
	s10 =	sld [smem:$0x3FB4]  }
0x3d: {  	_ =	shalt  }
0x3e: {  	_ =	shalt  }
0x3f: {  	_ =	shalt  }
0x40: {  	_ =	shalt  }
0x41: {  	_ =	shalt  }
0x42: {  	_ =	shalt  }
0x43: {  	_ =	shalt  }
0x44: {  	_ =	shalt  }
0x45: {  	_ =	shalt  }
0x46: {  	_ =	shalt  }
0x47: {  	_ =	shalt  }
0x48: {  	_ =	shalt  }
0x49: {  	_ =	shalt  }
0x4a: {  	_ =	shalt  }
0x4b: {  	_ =	shalt  }
0x4c: {  	_ =	shalt  }
0x4d: {  	_ =	shalt  }
0x4e: {  	_ =	shalt  }
0x4f: {  	_ =	shalt  }
0x50: {  	_ =	shalt  }
0x51: {  	_ =	shalt  }
0x52: {  	_ =	shalt  }
0x53: {  	_ =	shalt  }
0x54: {  	_ =	shalt  }
0x55: {  	_ =	shalt  }
0x56: {  	_ =	shalt  }
0x57: {  	_ =	shalt  }
0x58: {  	_ =	shalt  }
0x59: {  	_ =	shalt  }
0x5a: {  	_ =	shalt  }
0x5b: {  	_ =	shalt  }
0x5c: {  	_ =	shalt  }
0x5d: {  	_ =	shalt  }
0x5e: {  	_ =	shalt  }
0x5f: {  	_ =	shalt  }
0x60: {  	_ =	shalt  }
0x61: {  	_ =	shalt  }
0x62: {  	_ =	shalt  }
0x63: {  	_ =	shalt  }
0x64: {  	_ =	shalt  }
0x65: {  	_ =	shalt  }
0x66: {  	_ =	shalt  }
0x67: {  	_ =	shalt  }
0x68: {  	_ =	shalt  }
0x69: {  	_ =	shalt  }
0x6a: {  	_ =	shalt  }
0x6b: {  	_ =	shalt  }
0x6c: {  	_ =	shalt  }
0x6d: {  	_ =	shalt  }
0x6e: {  	_ =	shalt  }
0x6f: {  	_ =	shalt  }
0x70: {  	_ =	shalt  }
0x71: {  	_ =	shalt  }
0x72: {  	_ =	shalt  }
0x73: {  	_ =	shalt  }
0x74: {  	_ =	shalt  }
0x75: {  	_ =	shalt  }
0x76: {  	_ =	shalt  }
0x77: {  	_ =	shalt  }
0x78: {  	_ =	shalt  }
0x79: {  	_ =	shalt  }
0x7a: {  	_ =	shalt  }
0x7b: {  	_ =	shalt  }
0x7c: {  	_ =	shalt  }
0x7d: {  	_ =	shalt  }
0x7e: {  	_ =	shalt  }
0x7f: {  	_ =	shalt  }
0x80: {  	_ =	shalt  }
0x81: {  	_ =	shalt  }
0x82: {  	_ =	shalt  }
0x83: {  	_ =	shalt  }
0x84: {  	_ =	shalt  }
0x85: {  	_ =	shalt  }
0x86: {  	_ =	shalt  }
0x87: {  	_ =	shalt  }
.Lfunc_end0:
.L_simem_size_0:
called_computation_lowered:
.L_overlay_start_0:
0x88: {  	s2 =	sld [smem:$0x3FD9]  }
0x89: {  	s3 =	sld [smem:$0x3FFE];
	_ =	sdelay $0x1  }
0x8a: {  	s1 =	srdreg.scid  }
0x8b: {  	s0 =	sand.u32 $0x1, s1  }
0x8c: {  	s14 =	sshll.u32 s0, $0xA;
	s2 =	sadd.s32 s3, s2  }
0x8d: {  	s2 =	sadd.s32 s2, s14  }
0x8e: {  	[smem:$0x3FC0] =	sst s2  }
0x8f: {  	_ = 	snop  }
0x90: {  	s2 =	sld [smem:$0x3FD0];
	_ =	sdelay $0x2  }
0x91: {  	s15 =	simm.s32 $0xA;
	s4 =	simm.s32 $0x10  }
0x92: {  	[smem:s4], [sflag:s15] =	dma.local [hbm:s2], $0x1  }
0x93: {  	_ =	swait.eq [sflag:s15], $0x1  }
0x94: {  	[sflag:s15] =	ssyncset.done $0x0  }
0x95: {  	s16 =	sld [smem:$0x10];
	[sflag:s15] =	ssyncadd.s32 $0xFFFFFFFF  }
0x96: {  	s17 =	sld [smem:$0x11];
	(tm) =	ssettm $0x1  }
0x97: {  	s18 =	sld [smem:$0x3FFB];
	_ =	sdelay $0x3  }
0x98: {  	_ =	strace s18  }
0x99: {  	s4 =	sld [smem:$0x3FFC];
	_ =	sdelay $0x3  }
0x9a: {  	_ =	strace s4  }
0x9b: {  	s4 =	sld [smem:$0x3FFD];
	_ =	sdelay $0x3  }
0x9c: {  	_ =	strace s4  }
0x9d: {  	_ =	strace $0x8FFFFFFF  }
0x9e: {  	s19 =	sld [smem:$0x3FDB];
	_ =	sdelay $0x1  }
0x9f: {  	s5 =	simm.s32 $_scs_section_size  }
0xa0: {  	s6 =	simm.s32 $_size__tile_overlayer_lowered;
	s7 =	simm.s32 $_tile_overlayer_lowered  }
0xa1: {  	s22 =	simm.s32 $0x1BFF;
	s21 =	sshll.u32 s7, $0x1;
	s4 =	sadd.s32 s5, s19  }
0xa2: {  	s8 =	simm.s32 $0x0;
	s20 =	sshll.u32 s6, $0x1;
	s6 =	sadd.s32 s21, s4  }
0xa3: {  	[timem:s8], [sflag:s22] =	dma.local [hbm:s6], s20  }
0xa4: {  	_ =	swait.ge [sflag:s22], s20  }
0xa5: {  	s5 =	ssub.s32 $0x0, s20;
	[sflag:s22] =	ssyncset.done $0x0  }
0xa6: {  	[sflag:s22] =	ssyncadd.s32 s5;
	_ =	sdelay $0x1  }
0xa7: {  	s23 =	simm.s32 $0x1B8B  }
0xa8: {  	_ =	swait.ge [sflag:s23], $0x1  }
0xa9: {  	[sflag:s23] =	ssyncset.done $0x0  }
0xaa: {  	s25 =	simm.s32 $0x1B8E;
	s24 =	sld [smem:$0x3FFE];
	[sflag:s23] =	ssyncadd.s32 $0xFFFFFFFF  }
0xab: {  	s26 =	simm.s32 $execute0_lowered;
	[smem:$0x3FD2] =	sst s25  }
0xac: {  	s6 =	sshll.u32 s26, $0x1;
	_ =	strace $0x80000046;
	[dreg:$0x1] =	wrdreg $0xFFFFFFFF  }
0xad: {  	s28 =	simm.s32 $_size_execute0_lowered;
	s4 =	sadd.s32 s4, s6;
	[dreg:$0x0] =	wrdreg $0x0  }
0xae: {  	s6 =	sshll.u32 s28, $0x1;
	[dreg:$0x2] =	wrdreg s4  }
0xaf: {  	[dreg:$0x3] =	wrdreg s6  }
0xb0: {  	[dreg:$0x4] =	wrdreg $0xC0  }
0xb1: {  	_ =	task [dreg:s8], $0x5FFFF  }
0xb2: {  	[dreg:$0x1] =	wrdreg $0xFFFFFFFF  }
0xb3: {  	[dreg:$0x0] =	wrdreg $0x60  }
0xb4: {  	[dreg:$0x2] =	wrdreg s16  }
0xb5: {  	[dreg:$0x3] =	wrdreg s17  }
0xb6: {  	[dreg:$0x4] =	wrdreg s24  }
0xb7: {  	[dreg:$0x5] =	wrdreg $0x9  }
0xb8: {  	_ =	task.clear_ibuf [dreg:s8], $0x6FFFF;
	_ =	strace $0x90000046  }
0xb9: {  	s29 =	simm.s32 $0x9;
	_ =	strace $0x80000048  }
0xba: {  	_ =	swait.ge [sflag:s29], $0x1  }
0xbb: {  	[sflag:s29] =	ssyncadd.s32 $0xFFFFFFFF  }
0xbc: {  	_ =	strace $0x90000048  }
0xbd: {  	_ =	sfence  }
0xbe: {  	s30 =	sld [smem:$0x0];
	_ =	sdelay $0x2  }
0xbf: {  	s31 =	sshll.u32 s1, $0xD;
	s1 =	sshrl.u32 s1, $0x2  }
0xc0: {  	s3 =	sand.u32 $0x4000, s31;
	s1 =	sadd.s32 s1, s30  }
0xc1: {  	s0 =	sor.u32 s3, s0;
	s1 =	sshll.u32 s1, $0x11  }
0xc2: {  	s0 =	sor.u32 s1, s0  }
0xc3: {  	s0 =	sadd.s32 $0x8F2B, s0  }
0xc4: {  	[sflag:s0] =	ssyncadd.remote.s32 $0x1  }
0xc5: {  	_ =	sfence.sel $0xFFFF  }
0xc6: {  	[dreg:$0x0] =	wrdreg $0xFFFFFFFF;
	(pc) =	sbr.abs _section_cstart, $3  }
0xc7: {  	[dreg:$0x1] =	wrdreg $0xFFFFFFFF  }
0xc8: {  	_ =	task.clear_ibuf [dreg:s8], $0x2FFFF;
	_ =	strace $0x9FFFFFFF  }
0xc9: {  	(tm) =	ssettm $0x7FFFFFFF  }
tec
execute0_lowered:
.L_overlay_start_1:
0x0: {  	(tag) =	ssettag $0x1  }
0x1: {  	s0 =	rddreg [dreg:$0x0]  }
0x2: {  	s1 =	srdreg.scid;
	s4 =	rddreg [dreg:$0x1]  }
0x3: {  	s6 =	rddreg [dreg:$0x2];
	s5 =	sand.u32 $0x1, s1  }
0x4: {  	s2 =	stileid.u32;
	s9 =	simm.s32 $0x0;
	s3 =	sshll.u32 s5, $0x4  }
0x5: {  	s5 =	ssub.s32 $0x2, s5;
	s7 =	sor.u32 s2, s3;
	s3 =	simm.s32 $0x0  }
0x6: {  	s8 =	sshrl.u32 s5, $0x1;
	s7 =	smul.u32 $0x500, s7;
	[smem:$0x7FF] =	sst s3  }
0x7: {  	s1 =	rddreg [dreg:$0x3];
	s8 =	ssub.s32 s5, s8;
	_ =	strace $0x80000047  }
0x8: {  	s6 =	sadd.s32 s7, s6;
	s4 =	sadd.s32 s4, s7;
	s7 =	simm.s32 $0x1  }
0x9: {  	v0 =	vimm.f32 $1.000000000e+00;
	s5 =	sadd.s32 $0x1A00, s6;
	s6 =	smax.u32 s8, $0x1;
	s8 =	simm.s32 $0x2800  }
.LBB2_1:
0xa: {  	[tilespmem:s3], [sflag:$0x1] =	stream.linear.gather [hbm4b:s4+s3], $0x2800, $0x38;
	[tilespmem:$0x5000] =	vst v63  }
0xb: {  	_ =	swait.ge [sflag:s7], $0x2800  }
0xc: {  	[sflag:s7] =	ssyncset.done $0x0  }
0xd: {  	[sflag:s7] =	ssyncadd.s32 $0xFFFFD800  }
0xe: {  	[tilespmem:s8], [sflag:$0x1] =	stream.linear.gather [hbm4b:s0+s3], $0x2800, $0x38;
	[tilespmem:$0x5000] =	vst v63  }
0xf: {  	_ =	swait.ge [sflag:s7], $0x2800  }
0x10: {  	[sflag:s7] =	ssyncset.done $0x0  }
0x11: {  	s10 =	simm.s32 $0x0;
	[sflag:s7] =	ssyncadd.s32 $0xFFFFD800  }
.LBB2_2:
0x12: {  	s11 =	sshra.s32 s10, $0x2  }
0x13: {  	v1 =	vld [tilespmem:s11+$0x0];
	_ =	sdelay $0x7  }
0x14: {  	[tilespmem:v1+s8+$0x0] =	vst.idx.add.f32.msk $0xffff, v0  }
0x15: {  	v1 =	vld [tilespmem:s11+$0x10];
	_ =	sdelay $0x7  }
0x16: {  	[tilespmem:v1+s8+$0x0] =	vst.idx.add.f32.msk $0xffff, v0  }
0x17: {  	v1 =	vld [tilespmem:s11+$0x20];
	_ =	sdelay $0x7  }
0x18: {  	[tilespmem:v1+s8+$0x0] =	vst.idx.add.f32.msk $0xffff, v0  }
0x19: {  	v1 =	vld [tilespmem:s11+$0x30];
	_ =	sdelay $0x7  }
0x1a: {  	[tilespmem:v1+s8+$0x0] =	vst.idx.add.f32.msk $0xffff, v0  }
0x1b: {  	v1 =	vld [tilespmem:s11+$0x40];
	_ =	sdelay $0x7  }
0x1c: {  	[tilespmem:v1+s8+$0x0] =	vst.idx.add.f32.msk $0xffff, v0  }
0x1d: {  	v1 =	vld [tilespmem:s11+$0x50];
	_ =	sdelay $0x7  }
0x1e: {  	[tilespmem:v1+s8+$0x0] =	vst.idx.add.f32.msk $0xffff, v0  }
0x1f: {  	v1 =	vld [tilespmem:s11+$0x60];
	_ =	sdelay $0x7  }
0x20: {  	[tilespmem:v1+s8+$0x0] =	vst.idx.add.f32.msk $0xffff, v0  }
0x21: {  	v1 =	vld [tilespmem:s11+$0x70];
	_ =	sdelay $0x2  }
0x22: {  	p0 =	sne.s32 s10, $0x9E00  }
.Ltmp0:
0x23: {  	_ = 	snop;
	(pc) =	sbr.rel @p0 .LBB2_2-.Ltmp0, $2  }
0x24: {  	_ =	sdelay $0x2  }
0x25: {  	s10 =	sadd.s32 $0x200, s10;
	[tilespmem:v1+s8+$0x0] =	vst.idx.add.f32.msk $0xffff, v0  }
0x26: {  	s9 =	sadd.s32 $0x1, s9  }
0x27: {  	p0 =	sne.s32 s9, s6  }
.Ltmp1:
0x28: {  	_ = 	snop;
	(pc) =	sbr.rel @p0 .LBB2_1-.Ltmp1, $4  }
0x29: {  	[hbm4b:s5+s3] =	stream.linear.scatter [tilespmem:s8], [sflag:$0x1], $0x2800, $0x38;
	[tilespmem:$0x5000] =	vst v63  }
0x2a: {  	_ =	swait.ge [sflag:s7], $0x2800  }
0x2b: {  	[sflag:s7] =	ssyncset.done $0x0  }
0x2c: {  	[sflag:s7] =	ssyncadd.s32 $0xFFFFD800  }
0x2d: {  	_ =	sfence.sel $0x180000  }
0x2e: {  	[bflag:$0x0] =	sbarrier.arrive $0xFFFF  }
0x2f: {  	p0 =	sne.s32 s2, $0x0;
	_ =	strace $0x90000047  }
0x30: {  	s0 =	sadd.s32 @!p0 $0x100000, s1;
	[bflag:$0x2] =	sbarrier.arrive $0xFFFF  }
0x31: {  	[sflag:s0] =	ssyncadd.tile.s32 @!p0 $0x1;
	_ =	shalt  }
.Lfunc_end2:
_tile_overlayer_lowered:
.L_overlay_start_2:
0x32: {  	(tag) =	ssettag $0x2  }
0x33: {  	s0 =	rddreg [dreg:$0x0];
	s2 =	stileid.u32  }
0x34: {  	s1 =	rddreg [dreg:$0x1];
	p0 =	sne.s32 s2, $0x0  }
0x35: {  	s3 =	rddreg [dreg:$0x2];
	[bflag:$0x3] =	sbarrier.arrive $0xFFFF;
	s2 =	simm.s32 @!p0 $0x1C01  }
0x36: {  	[timem:s3], [sflag:s2] =	dma.local @!p0 [hbm:s0], s1  }
0x37: {  	s0 =	simm.s32 @!p0 $0x1  }
0x38: {  	_ =	swait.ge @!p0 [sflag:s0], s1  }
0x39: {  	s1 =	ssub.s32 @!p0 $0x0, s1;
	[sflag:s0] =	ssyncset.done @!p0 $0x0  }
0x3a: {  	[sflag:s0] =	ssyncadd.s32 @!p0 s1  }
0x3b: {  	[bflag:$0x3] =	sbarrier.arrive $0xFFFF  }
0x3c: {  	_ =	shalt  }

</sc_bundles>
